<compile_context>
chip_gen: v7x
topology: tpu7x:2x2x1
jax: 0.10.2.dev20260603
libtpu: 0.0.44.dev20260713+nightly
codegen_flags: <defaults>
</compile_context>

<pallas_src>
import functools

import jax
import jax.numpy as jnp
from jax import lax
from jax.experimental import pallas as pl
from jax.experimental.pallas import tpu as pltpu
from jax.experimental.pallas import tpu_sc as plsc

BSZ = 32
BEAM = 8
VOCAB = 100000
K = 16
DIVERSITY = 0.5

LANES = 16
CHUNKS_PER_BLOCK = 64
BLOCK = CHUNKS_PER_BLOCK * LANES
NBLOCKS = 98
NGROUPS = 7
GBLOCKS = NBLOCKS // NGROUPS
VPAD = NBLOCKS * BLOCK
SECTIONS = (0, 48, 98)

NEG_INF = float("-inf")
BIG = 1 << 30


def _pass_a(data, blockmax, row_off, blo, bhi):
    ninf = jnp.full((LANES,), NEG_INF, jnp.float32)

    def blk(b, _):
        def chunk(c, m):
            x = data[pl.ds(row_off + (b * CHUNKS_PER_BLOCK + c) * LANES, LANES)]
            return jnp.maximum(m, x)
        m = lax.fori_loop(0, CHUNKS_PER_BLOCK, chunk, ninf, unroll=16)
        blockmax[pl.ds(b * LANES, LANES)] = m
        return 0

    lax.fori_loop(blo, bhi, blk, 0)


def _row_topk(data, blockmax, gmax, row_off, svec, pen, iota):
    ninf = jnp.full((LANES,), NEG_INF, jnp.float32)

    def grp(g, _):
        def gb(b, m):
            return jnp.maximum(m, blockmax[pl.ds((g * GBLOCKS + b) * LANES,
                                                 LANES)])
        gmax[pl.ds(g * LANES, LANES)] = lax.fori_loop(0, GBLOCKS, gb, ninf,
                                                      unroll=GBLOCKS)
        return 0

    lax.fori_loop(0, NGROUPS, grp, 0)

    def extract(t, carry):
        vals16, idx16 = carry

        def scang(g, c2):
            m, a = c2
            mg = gmax[pl.ds(g * LANES, LANES)]
            gt = mg > m
            return (jnp.where(gt, mg, m),
                    jnp.where(gt, jnp.full((LANES,), g, jnp.int32), a))

        m, ag = lax.fori_loop(0, NGROUPS, scang,
                              (ninf, jnp.zeros((LANES,), jnp.int32)),
                              unroll=NGROUPS)
        gval = jnp.max(m)
        gstar = jnp.min(jnp.where(m == gval, ag, BIG))

        def scanb(b, c2):
            m2, a2 = c2
            bb = gstar * GBLOCKS + b
            mb = blockmax[pl.ds(bb * LANES, LANES)]
            gt = mb > m2
            return (jnp.where(gt, mb, m2),
                    jnp.where(gt, jnp.full((LANES,), bb, jnp.int32), a2))

        m2, a2 = lax.fori_loop(0, GBLOCKS, scanb,
                               (ninf, jnp.zeros((LANES,), jnp.int32)),
                               unroll=GBLOCKS)
        tied = m2 == gval
        bstar = jnp.min(jnp.where(tied, a2, BIG))
        lmask = tied & (a2 == bstar)

        base = bstar * CHUNKS_PER_BLOCK * LANES

        def findc(c, acc):
            off = base + c * LANES
            x = data[pl.ds(row_off + off, LANES)]
            hit = (x == gval) & lmask
            fi = iota + off
            return jnp.minimum(acc, jnp.where(hit, fi, BIG))

        widx = jnp.min(lax.fori_loop(0, CHUNKS_PER_BLOCK, findc,
                                     jnp.full((LANES,), BIG, jnp.int32),
                                     unroll=8))

        plsc.store_scatter(data, [jnp.full((LANES,), row_off + widx, jnp.int32)],
                           ninf, mask=iota == 0)

        def reblk(c, mm):
            x = data[pl.ds(row_off + base + c * LANES, LANES)]
            return jnp.maximum(mm, x)

        blockmax[pl.ds(bstar * LANES, LANES)] = lax.fori_loop(
            0, CHUNKS_PER_BLOCK, reblk, ninf, unroll=16)

        def regrp(b, mm):
            return jnp.maximum(mm, blockmax[pl.ds((gstar * GBLOCKS + b) *
                                                  LANES, LANES)])

        gmax[pl.ds(gstar * LANES, LANES)] = lax.fori_loop(
            0, GBLOCKS, regrp, ninf, unroll=GBLOCKS)

        sel = iota == t
        vals16 = jnp.where(sel, jnp.full((LANES,), gval, jnp.float32), vals16)
        idx16 = jnp.where(sel, jnp.full((LANES,), widx, jnp.int32), idx16)
        return vals16, idx16

    vals16, idx16 = lax.fori_loop(
        0, K, extract, (ninf, jnp.zeros((LANES,), jnp.int32)))
    return vals16 + svec - pen, idx16


def _body(lp_hbm, sb_hbm, outs_hbm, outi_hbm, outb_hbm,
          data, blockmax, gmax, candv, candidx, svmem, ovf, ovi, ovb,
          sem1, sem2):
    w = lax.axis_index("s") * 2 + lax.axis_index("c")
    iota = lax.iota(jnp.int32, LANES)
    pen = (iota.astype(jnp.float32) + 1.0) * DIVERSITY

    ninf = jnp.full((LANES,), NEG_INF, jnp.float32)

    def padb(i, _):
        data[pl.ds(VOCAB + i * LANES, LANES)] = ninf
        return 0

    lax.fori_loop(0, (VPAD - VOCAB) // LANES, padb, 0)

    sems = [sem1, sem2]

    def row(beam, _):
        r = w * BEAM + beam
        descs = []
        for i, blo in enumerate(SECTIONS[:-1]):
            lo = blo * BLOCK
            hi = min(SECTIONS[i + 1] * BLOCK, VOCAB)
            descs.append(pltpu.async_copy(lp_hbm.at[r, pl.ds(lo, hi - lo)],
                                          data.at[pl.ds(lo, hi - lo)],
                                          sems[i]))
        pltpu.sync_copy(sb_hbm.at[r], svmem)
        for i, d in enumerate(descs):
            d.wait()
            _pass_a(data, blockmax, 0, SECTIONS[i], SECTIONS[i + 1])
        vals16, idx16 = _row_topk(data, blockmax, gmax, 0, svmem[...], pen,
                                  iota)
        candv[pl.ds(beam * K, K)] = vals16
        candidx[pl.ds(beam * K, K)] = idx16
        return 0

    lax.fori_loop(0, BEAM, row, 0)

    def extract2(t, carry):
        fs, fp = carry

        def scan(bm, c2):
            m, p = c2
            x = candv[pl.ds(bm * K, K)]
            gt = x > m
            return (jnp.where(gt, x, m), jnp.where(gt, iota + bm * K, p))

        m, p = lax.fori_loop(0, BEAM, scan,
                             (jnp.full((LANES,), NEG_INF, jnp.float32),
                              jnp.zeros((LANES,), jnp.int32)), unroll=8)
        gval = jnp.max(m)
        wp = jnp.min(jnp.where(m == gval, p, BIG))
        plsc.store_scatter(candv, [jnp.full((LANES,), wp, jnp.int32)],
                           jnp.full((LANES,), NEG_INF, jnp.float32),
                           mask=iota == 0)
        sel = iota == t
        fs = jnp.where(sel, jnp.full((LANES,), gval, jnp.float32), fs)
        fp = jnp.where(sel, jnp.full((LANES,), wp, jnp.int32), fp)
        return fs, fp

    fs, fp = lax.fori_loop(0, K, extract2,
                           (jnp.full((LANES,), NEG_INF, jnp.float32),
                            jnp.zeros((LANES,), jnp.int32)))

    ovf[...] = fs
    ovb[...] = fp // K
    ovi[...] = plsc.load_gather(candidx, [fp])
    pltpu.sync_copy(ovf, outs_hbm.at[w])
    pltpu.sync_copy(ovi, outi_hbm.at[w])
    pltpu.sync_copy(ovb, outb_hbm.at[w])


@jax.jit
def kernel(lprobs, scores, step):
    bsz, beam, vocab = lprobs.shape
    lp2d = lprobs.reshape(bsz * beam, vocab)
    s_last = jnp.take(scores, step - 1, axis=2).reshape(bsz * beam, 1)
    s_b = jnp.broadcast_to(s_last, (bsz * beam, LANES))

    mesh = plsc.VectorSubcoreMesh(core_axis_name="c", subcore_axis_name="s")
    f = pl.kernel(
        _body,
        out_type=(
            jax.ShapeDtypeStruct((BSZ, K), jnp.float32),
            jax.ShapeDtypeStruct((BSZ, K), jnp.int32),
            jax.ShapeDtypeStruct((BSZ, K), jnp.int32),
        ),
        mesh=mesh,
        compiler_params=pltpu.CompilerParams(
            needs_layout_passes=False, use_tc_tiling_on_sc=False),
        scratch_types=[
            pltpu.VMEM((VPAD,), jnp.float32),
            pltpu.VMEM((NBLOCKS * LANES,), jnp.float32),
            pltpu.VMEM((NGROUPS * LANES,), jnp.float32),
            pltpu.VMEM((BEAM * K,), jnp.float32),
            pltpu.VMEM((BEAM * K,), jnp.int32),
            pltpu.VMEM((LANES,), jnp.float32),
            pltpu.VMEM((K,), jnp.float32),
            pltpu.VMEM((K,), jnp.int32),
            pltpu.VMEM((K,), jnp.int32),
            pltpu.SemaphoreType.DMA,
            pltpu.SemaphoreType.DMA,
        ],
    )
    return f(lp2d, s_b)

# --- scband reference (transcript-rebuilt; emitter-appended) ---
"""Pipeline reference for scband-diverse-siblings-search-1202590843068 (READ-ONLY COPY).

The authoritative reference and input builder live on the scoring server;
editing this copy changes nothing except your own understanding.
"""

import jax, jax.numpy as jnp
import numpy as np

DIVERSITY_RATE = 0.5


def setup_inputs(seed: int = 0) -> dict:
    key = jax.random.key(seed)
    k1, k2 = jax.random.split(key)
    bsz, beam_size, vocab_size = 32, 8, 100000
    step = 4
    lprobs = jax.nn.log_softmax(
        jax.random.normal(k1, (bsz, beam_size, vocab_size), dtype=jnp.float32), axis=-1
    )
    scores = jax.random.normal(k2, (bsz, beam_size, step), dtype=jnp.float32)
    return {"lprobs": lprobs, "scores": scores, "step": step}


def reference(lprobs, scores, step):
    # DiverseSiblingsSearch.step for step > 0
    bsz, beam_size, vocab_size = lprobs.shape
    k = min(beam_size * 2, beam_size * vocab_size - 1)
    sibling_score = jnp.arange(1, k + 1, dtype=lprobs.dtype) * DIVERSITY_RATE

    # 1/ add historical scores
    lp = lprobs + scores[:, :, step - 1][:, :, None]

    # 2/ per-beam (sibling) top-k; jax.lax.top_k over last axis == loop over beams
    vals, idx = jax.lax.top_k(lp, k)  # [bsz, beam, k]
    idx = jnp.mod(idx, vocab_size)
    # 3/ rewrite scores with intra-sibling rank penalty
    vals = vals - sibling_score[None, None, :]

    indices = idx.reshape(bsz, beam_size * k)
    flat_scores = vals.reshape(bsz, beam_size * k)

    # 4/ choose top-k hypotheses across all beams
    final_scores, final_idx = jax.lax.top_k(flat_scores, k)
    final_beams = final_idx // k
    final_indices = jnp.take_along_axis(indices, final_idx, axis=1)
    return final_scores, final_indices, final_beams

if __name__ == "__main__":
    import jax
    _d = setup_inputs()
    print(jax.jit(kernel)(*tuple(_d.values())))

</pallas_src>

<mosaic_0001>
#map = affine_map<(d0, d1) -> (0, 0)>
module attributes {stable_mosaic.version = 14 : i64} {
  func.func @_body(%arg0: i32, %arg1: i32, %arg2: memref<256x100000xf32, #tpu.memory_space<hbm>>, %arg3: memref<256x16xf32, #tpu.memory_space<hbm>>, %arg4: memref<32x16xf32, #tpu.memory_space<hbm>>, %arg5: memref<32x16xi32, #tpu.memory_space<hbm>>, %arg6: memref<32x16xi32, #tpu.memory_space<hbm>>, %arg7: memref<100352xf32, #tpu.memory_space<vmem>>, %arg8: memref<1568xf32, #tpu.memory_space<vmem>>, %arg9: memref<112xf32, #tpu.memory_space<vmem>>, %arg10: memref<128xf32, #tpu.memory_space<vmem>>, %arg11: memref<128xi32, #tpu.memory_space<vmem>>, %arg12: memref<16xf32, #tpu.memory_space<vmem>>, %arg13: memref<16xf32, #tpu.memory_space<vmem>>, %arg14: memref<16xi32, #tpu.memory_space<vmem>>, %arg15: memref<16xi32, #tpu.memory_space<vmem>>, %arg16: memref<!tpu.dma_semaphore, #tpu.memory_space<semaphore_mem>>, %arg17: memref<!tpu.dma_semaphore, #tpu.memory_space<semaphore_mem>>) attributes {dimension_semantics = [#tpu.dimension_semantics<core_parallel>, #tpu.dimension_semantics<subcore_parallel>], iteration_bounds = array<i64: 2, 16>, scalar_prefetch = 0 : i64, scratch_operands = 11 : i64, tpu.core_type = #tpu.core_type<sc_vector_subcore>, window_params = [{transform_indices = #map}, {transform_indices = #map}, {transform_indices = #map}, {transform_indices = #map}, {transform_indices = #map}]} {
    %mul3A = arith.constant 2 : i32
    %mul3A_0 = arith.muli %arg1, %mul3A : i32
    %add3A = arith.addi %mul3A_0, %arg0 : i32
    %iota3A = tpu.iota {dimensions = array<i32: 0>} : vector<16xi32>
    %convert_element_type3A = arith.sitofp %iota3A : vector<16xi32> to vector<16xf32>
    %add3A_1 = arith.constant 1.000000e+00 : f32
    %add3A_2 = vector.broadcast %add3A_1 : f32 to vector<16xf32>
    %add3A_3 = arith.addf %convert_element_type3A, %add3A_2 : vector<16xf32>
    %mul3A_4 = arith.constant 5.000000e-01 : f32
    %mul3A_5 = vector.broadcast %mul3A_4 : f32 to vector<16xf32>
    %mul3A_6 = arith.mulf %add3A_3, %mul3A_5 : vector<16xf32>
    %broadcast_in_dim3A = arith.constant 0xFF800000 : f32
    %broadcast_in_dim3A_7 = vector.broadcast %broadcast_in_dim3A : f32 to vector<16xf32>
    %scan3A = arith.constant 0 : i32
    %scan3A_8 = arith.constant 0 : i32
    %scan3A_9 = arith.constant 22 : i32
    %scan3A_10 = arith.addi %scan3A_8, %scan3A_9 : i32
    %scan3A_11 = arith.constant 1 : i32
    %scan3A_12 = scf.for %scan3A_59 = %scan3A_8 to %scan3A_10 step %scan3A_11 iter_args(%scan3A_60 = %scan3A) -> (i32)  : i32 {
      %mul3A_61 = arith.constant 16 : i32
      %mul3A_62 = arith.muli %scan3A_59, %mul3A_61 : i32
      %add3A_63 = arith.constant 100000 : i32
      %add3A_64 = arith.addi %add3A_63, %mul3A_62 : i32
      %swap3A_65 = arith.index_cast %add3A_64 : i32 to index
      %swap3A_66 = tpu.vector_load %arg7[%swap3A_65] {strides = array<i32>} : memref<100352xf32, #tpu.memory_space<vmem>>, vector<16xf32>,
      tpu.vector_store %arg7[%swap3A_65], %broadcast_in_dim3A_7 {strides = array<i32>} : memref<100352xf32, #tpu.memory_space<vmem>>, vector<16xf32>,
      %scan3A_67 = arith.constant 0 : i32
      scf.yield %scan3A_67 : i32
    }
    %scan3A_13 = arith.constant 22 : i32
    %scan3A_14 = arith.constant 0 : i32
    %scan3A_15 = arith.constant 0 : i32
    %scan3A_16 = arith.constant 8 : i32
    %scan3A_17 = arith.addi %scan3A_15, %scan3A_16 : i32
    %scan3A_18 = arith.constant 1 : i32
    %scan3A_19 = scf.for %scan3A_59 = %scan3A_15 to %scan3A_17 step %scan3A_18 iter_args(%scan3A_60 = %scan3A_14) -> (i32)  : i32 {
      %mul3A_61 = arith.constant 8 : i32
      %mul3A_62 = arith.muli %add3A, %mul3A_61 : i32
      %add3A_63 = arith.addi %mul3A_62, %scan3A_59 : i32
      %dma_start3A = arith.constant 0 : i32
      %dma_start3A_64 = tpu.memref_slice %arg7[%dma_start3A] : memref<100352xf32, #tpu.memory_space<vmem>> -> memref<49152xf32, #tpu.memory_space<vmem>>
      %dma_start3A_65 = arith.constant 0 : i32
      %dma_start3A_66 = tpu.memref_slice %arg2[%add3A_63, %dma_start3A_65] : memref<256x100000xf32, #tpu.memory_space<hbm>> -> memref<1x49152xf32, #tpu.memory_space<hbm>>
      %dma_start3A_67 = tpu.memref_squeeze %dma_start3A_66 : memref<1x49152xf32, #tpu.memory_space<hbm>> -> memref<49152xf32, #tpu.memory_space<hbm>>
      %dma_start3A_68 = arith.constant 0 : i32
      %dma_start3A_69 = tpu.memref_slice %arg7[%dma_start3A_68] : memref<100352xf32, #tpu.memory_space<vmem>> -> memref<49152xf32, #tpu.memory_space<vmem>>
      %dma_start3A_70 = arith.constant 0 : i32
      %dma_start3A_71 = tpu.memref_slice %arg2[%add3A_63, %dma_start3A_70] : memref<256x100000xf32, #tpu.memory_space<hbm>> -> memref<1x49152xf32, #tpu.memory_space<hbm>>
      %dma_start3A_72 = tpu.memref_squeeze %dma_start3A_71 : memref<1x49152xf32, #tpu.memory_space<hbm>> -> memref<49152xf32, #tpu.memory_space<hbm>>
      tpu.enqueue_dma source(%dma_start3A_72 : memref<49152xf32, #tpu.memory_space<hbm>>) target(%dma_start3A_69 : memref<49152xf32, #tpu.memory_space<vmem>>) target_semaphore(%arg16 : memref<!tpu.dma_semaphore, #tpu.memory_space<semaphore_mem>>)
      %dma_start3A_73 = arith.constant 49152 : i32
      %dma_start3A_74 = tpu.memref_slice %arg7[%dma_start3A_73] : memref<100352xf32, #tpu.memory_space<vmem>> -> memref<50848xf32, #tpu.memory_space<vmem>>
      %dma_start3A_75 = arith.constant 49152 : i32
      %dma_start3A_76 = tpu.memref_slice %arg2[%add3A_63, %dma_start3A_75] : memref<256x100000xf32, #tpu.memory_space<hbm>> -> memref<1x50848xf32, #tpu.memory_space<hbm>>
      %dma_start3A_77 = tpu.memref_squeeze %dma_start3A_76 : memref<1x50848xf32, #tpu.memory_space<hbm>> -> memref<50848xf32, #tpu.memory_space<hbm>>
      %dma_start3A_78 = arith.constant 49152 : i32
      %dma_start3A_79 = tpu.memref_slice %arg7[%dma_start3A_78] : memref<100352xf32, #tpu.memory_space<vmem>> -> memref<50848xf32, #tpu.memory_space<vmem>>
      %dma_start3A_80 = arith.constant 49152 : i32
      %dma_start3A_81 = tpu.memref_slice %arg2[%add3A_63, %dma_start3A_80] : memref<256x100000xf32, #tpu.memory_space<hbm>> -> memref<1x50848xf32, #tpu.memory_space<hbm>>
      %dma_start3A_82 = tpu.memref_squeeze %dma_start3A_81 : memref<1x50848xf32, #tpu.memory_space<hbm>> -> memref<50848xf32, #tpu.memory_space<hbm>>
      tpu.enqueue_dma source(%dma_start3A_82 : memref<50848xf32, #tpu.memory_space<hbm>>) target(%dma_start3A_79 : memref<50848xf32, #tpu.memory_space<vmem>>) target_semaphore(%arg17 : memref<!tpu.dma_semaphore, #tpu.memory_space<semaphore_mem>>)
      "tpu.region"() ({
        %run_scoped3A = tpu.sem_alloc : memref<!tpu.dma_semaphore, #tpu.memory_space<semaphore_mem>>
        %dma_start3A_149 = arith.constant 0 : i32
        %dma_start3A_150 = tpu.memref_slice %arg3[%add3A_63, %dma_start3A_149] : memref<256x16xf32, #tpu.memory_space<hbm>> -> memref<1x16xf32, #tpu.memory_space<hbm>>
        %dma_start3A_151 = tpu.memref_squeeze %dma_start3A_150 : memref<1x16xf32, #tpu.memory_space<hbm>> -> memref<16xf32, #tpu.memory_space<hbm>>
        %dma_start3A_152 = arith.constant 0 : i32
        %dma_start3A_153 = tpu.memref_slice %arg3[%add3A_63, %dma_start3A_152] : memref<256x16xf32, #tpu.memory_space<hbm>> -> memref<1x16xf32, #tpu.memory_space<hbm>>
        %dma_start3A_154 = tpu.memref_squeeze %dma_start3A_153 : memref<1x16xf32, #tpu.memory_space<hbm>> -> memref<16xf32, #tpu.memory_space<hbm>>
        tpu.enqueue_dma source(%dma_start3A_154 : memref<16xf32, #tpu.memory_space<hbm>>) target(%arg12 : memref<16xf32, #tpu.memory_space<vmem>>) target_semaphore(%run_scoped3A : memref<!tpu.dma_semaphore, #tpu.memory_space<semaphore_mem>>)
        %dma_wait3A_155 = arith.constant 0 : i32
        %dma_wait3A_156 = tpu.memref_slice %arg3[%add3A_63, %dma_wait3A_155] : memref<256x16xf32, #tpu.memory_space<hbm>> -> memref<1x16xf32, #tpu.memory_space<hbm>>
        %dma_wait3A_157 = tpu.memref_squeeze %dma_wait3A_156 : memref<1x16xf32, #tpu.memory_space<hbm>> -> memref<16xf32, #tpu.memory_space<hbm>>
        %dma_wait3A_158 = arith.constant 0 : i32
        %dma_wait3A_159 = tpu.memref_slice %arg3[%add3A_63, %dma_wait3A_158] : memref<256x16xf32, #tpu.memory_space<hbm>> -> memref<1x16xf32, #tpu.memory_space<hbm>>
        %dma_wait3A_160 = tpu.memref_squeeze %dma_wait3A_159 : memref<1x16xf32, #tpu.memory_space<hbm>> -> memref<16xf32, #tpu.memory_space<hbm>>
        tpu.wait_dma2 semaphore(%run_scoped3A : memref<!tpu.dma_semaphore, #tpu.memory_space<semaphore_mem>>) src(%dma_wait3A_160 : memref<16xf32, #tpu.memory_space<hbm>>) dst(%arg12 : memref<16xf32, #tpu.memory_space<vmem>>)
        tpu.yield
      }) : () -> ()
      %dma_wait3A = arith.constant 0 : i32
      %dma_wait3A_83 = tpu.memref_slice %arg7[%dma_wait3A] : memref<100352xf32, #tpu.memory_space<vmem>> -> memref<49152xf32, #tpu.memory_space<vmem>>
      %dma_wait3A_84 = arith.constant 0 : i32
      %dma_wait3A_85 = tpu.memref_slice %arg2[%add3A_63, %dma_wait3A_84] : memref<256x100000xf32, #tpu.memory_space<hbm>> -> memref<1x49152xf32, #tpu.memory_space<hbm>>
      %dma_wait3A_86 = tpu.memref_squeeze %dma_wait3A_85 : memref<1x49152xf32, #tpu.memory_space<hbm>> -> memref<49152xf32, #tpu.memory_space<hbm>>
      %dma_wait3A_87 = arith.constant 0 : i32
      %dma_wait3A_88 = tpu.memref_slice %arg7[%dma_wait3A_87] : memref<100352xf32, #tpu.memory_space<vmem>> -> memref<49152xf32, #tpu.memory_space<vmem>>
      %dma_wait3A_89 = arith.constant 0 : i32
      %dma_wait3A_90 = tpu.memref_slice %arg2[%add3A_63, %dma_wait3A_89] : memref<256x100000xf32, #tpu.memory_space<hbm>> -> memref<1x49152xf32, #tpu.memory_space<hbm>>
      %dma_wait3A_91 = tpu.memref_squeeze %dma_wait3A_90 : memref<1x49152xf32, #tpu.memory_space<hbm>> -> memref<49152xf32, #tpu.memory_space<hbm>>
      tpu.wait_dma2 semaphore(%arg16 : memref<!tpu.dma_semaphore, #tpu.memory_space<semaphore_mem>>) src(%dma_wait3A_91 : memref<49152xf32, #tpu.memory_space<hbm>>) dst(%dma_wait3A_88 : memref<49152xf32, #tpu.memory_space<vmem>>)
      %broadcast_in_dim3A_92 = arith.constant 0xFF800000 : f32
      %broadcast_in_dim3A_93 = vector.broadcast %broadcast_in_dim3A_92 : f32 to vector<16xf32>
      %scan3A_94 = arith.constant 0 : i32
      %scan3A_95 = arith.constant 0 : i32
      %scan3A_96 = arith.constant 48 : i32
      %scan3A_97 = arith.addi %scan3A_95, %scan3A_96 : i32
      %scan3A_98 = arith.constant 1 : i32
      %scan3A_99 = scf.for %scan3A_149 = %scan3A_95 to %scan3A_97 step %scan3A_98 iter_args(%scan3A_150 = %scan3A_94) -> (i32)  : i32 {
        %scan3A_151 = arith.constant 0 : i32
        %scan3A_152 = arith.constant 64 : i32
        %scan3A_153 = arith.addi %scan3A_151, %scan3A_152 : i32
        %scan3A_154 = arith.constant 16 : i32
        %scan3A_155 = scf.for %scan3A_162 = %scan3A_151 to %scan3A_153 step %scan3A_154 iter_args(%scan3A_163 = %broadcast_in_dim3A_93) -> (vector<16xf32>)  : i32 {
          %mul3A_164 = arith.constant 64 : i32
          %mul3A_165 = arith.muli %scan3A_149, %mul3A_164 : i32
          %add3A_166 = arith.addi %mul3A_165, %scan3A_162 : i32
          %mul3A_167 = arith.constant 16 : i32
          %mul3A_168 = arith.muli %add3A_166, %mul3A_167 : i32
          %add3A_169 = arith.constant 0 : i32
          %add3A_170 = arith.addi %add3A_169, %mul3A_168 : i32
          %get3A_171 = arith.index_cast %add3A_170 : i32 to index
          %get3A_172 = tpu.vector_load %arg7[%get3A_171] {strides = array<i32>} : memref<100352xf32, #tpu.memory_space<vmem>>, vector<16xf32>,
          %max3A = arith.maximumf %scan3A_163, %get3A_172 : vector<16xf32>
          %scan3A_173 = arith.constant 1 : i32
          %scan3A_174 = arith.addi %scan3A_162, %scan3A_173 : i32
          %mul3A_175 = arith.constant 64 : i32
          %mul3A_176 = arith.muli %scan3A_149, %mul3A_175 : i32
          %add3A_177 = arith.addi %mul3A_176, %scan3A_174 : i32
          %mul3A_178 = arith.constant 16 : i32
          %mul3A_179 = arith.muli %add3A_177, %mul3A_178 : i32
          %add3A_180 = arith.constant 0 : i32
          %add3A_181 = arith.addi %add3A_180, %mul3A_179 : i32
          %get3A_182 = arith.index_cast %add3A_181 : i32 to index
          %get3A_183 = tpu.vector_load %arg7[%get3A_182] {strides = array<i32>} : memref<100352xf32, #tpu.memory_space<vmem>>, vector<16xf32>,
          %max3A_184 = arith.maximumf %max3A, %get3A_183 : vector<16xf32>
          %scan3A_185 = arith.constant 2 : i32
          %scan3A_186 = arith.addi %scan3A_162, %scan3A_185 : i32
          %mul3A_187 = arith.constant 64 : i32
          %mul3A_188 = arith.muli %scan3A_149, %mul3A_187 : i32
          %add3A_189 = arith.addi %mul3A_188, %scan3A_186 : i32
          %mul3A_190 = arith.constant 16 : i32
          %mul3A_191 = arith.muli %add3A_189, %mul3A_190 : i32
          %add3A_192 = arith.constant 0 : i32
          %add3A_193 = arith.addi %add3A_192, %mul3A_191 : i32
          %get3A_194 = arith.index_cast %add3A_193 : i32 to index
          %get3A_195 = tpu.vector_load %arg7[%get3A_194] {strides = array<i32>} : memref<100352xf32, #tpu.memory_space<vmem>>, vector<16xf32>,
          %max3A_196 = arith.maximumf %max3A_184, %get3A_195 : vector<16xf32>
          %scan3A_197 = arith.constant 3 : i32
          %scan3A_198 = arith.addi %scan3A_162, %scan3A_197 : i32
          %mul3A_199 = arith.constant 64 : i32
          %mul3A_200 = arith.muli %scan3A_149, %mul3A_199 : i32
          %add3A_201 = arith.addi %mul3A_200, %scan3A_198 : i32
          %mul3A_202 = arith.constant 16 : i32
          %mul3A_203 = arith.muli %add3A_201, %mul3A_202 : i32
          %add3A_204 = arith.constant 0 : i32
          %add3A_205 = arith.addi %add3A_204, %mul3A_203 : i32
          %get3A_206 = arith.index_cast %add3A_205 : i32 to index
          %get3A_207 = tpu.vector_load %arg7[%get3A_206] {strides = array<i32>} : memref<100352xf32, #tpu.memory_space<vmem>>, vector<16xf32>,
          %max3A_208 = arith.maximumf %max3A_196, %get3A_207 : vector<16xf32>
          %scan3A_209 = arith.constant 4 : i32
          %scan3A_210 = arith.addi %scan3A_162, %scan3A_209 : i32
          %mul3A_211 = arith.constant 64 : i32
          %mul3A_212 = arith.muli %scan3A_149, %mul3A_211 : i32
          %add3A_213 = arith.addi %mul3A_212, %scan3A_210 : i32
          %mul3A_214 = arith.constant 16 : i32
          %mul3A_215 = arith.muli %add3A_213, %mul3A_214 : i32
          %add3A_216 = arith.constant 0 : i32
          %add3A_217 = arith.addi %add3A_216, %mul3A_215 : i32
          %get3A_218 = arith.index_cast %add3A_217 : i32 to index
          %get3A_219 = tpu.vector_load %arg7[%get3A_218] {strides = array<i32>} : memref<100352xf32, #tpu.memory_space<vmem>>, vector<16xf32>,
          %max3A_220 = arith.maximumf %max3A_208, %get3A_219 : vector<16xf32>
          %scan3A_221 = arith.constant 5 : i32
          %scan3A_222 = arith.addi %scan3A_162, %scan3A_221 : i32
          %mul3A_223 = arith.constant 64 : i32
          %mul3A_224 = arith.muli %scan3A_149, %mul3A_223 : i32
          %add3A_225 = arith.addi %mul3A_224, %scan3A_222 : i32
          %mul3A_226 = arith.constant 16 : i32
          %mul3A_227 = arith.muli %add3A_225, %mul3A_226 : i32
          %add3A_228 = arith.constant 0 : i32
          %add3A_229 = arith.addi %add3A_228, %mul3A_227 : i32
          %get3A_230 = arith.index_cast %add3A_229 : i32 to index
          %get3A_231 = tpu.vector_load %arg7[%get3A_230] {strides = array<i32>} : memref<100352xf32, #tpu.memory_space<vmem>>, vector<16xf32>,
          %max3A_232 = arith.maximumf %max3A_220, %get3A_231 : vector<16xf32>
          %scan3A_233 = arith.constant 6 : i32
          %scan3A_234 = arith.addi %scan3A_162, %scan3A_233 : i32
          %mul3A_235 = arith.constant 64 : i32
          %mul3A_236 = arith.muli %scan3A_149, %mul3A_235 : i32
          %add3A_237 = arith.addi %mul3A_236, %scan3A_234 : i32
          %mul3A_238 = arith.constant 16 : i32
          %mul3A_239 = arith.muli %add3A_237, %mul3A_238 : i32
          %add3A_240 = arith.constant 0 : i32
          %add3A_241 = arith.addi %add3A_240, %mul3A_239 : i32
          %get3A_242 = arith.index_cast %add3A_241 : i32 to index
          %get3A_243 = tpu.vector_load %arg7[%get3A_242] {strides = array<i32>} : memref<100352xf32, #tpu.memory_space<vmem>>, vector<16xf32>,
          %max3A_244 = arith.maximumf %max3A_232, %get3A_243 : vector<16xf32>
          %scan3A_245 = arith.constant 7 : i32
          %scan3A_246 = arith.addi %scan3A_162, %scan3A_245 : i32
          %mul3A_247 = arith.constant 64 : i32
          %mul3A_248 = arith.muli %scan3A_149, %mul3A_247 : i32
          %add3A_249 = arith.addi %mul3A_248, %scan3A_246 : i32
          %mul3A_250 = arith.constant 16 : i32
          %mul3A_251 = arith.muli %add3A_249, %mul3A_250 : i32
          %add3A_252 = arith.constant 0 : i32
          %add3A_253 = arith.addi %add3A_252, %mul3A_251 : i32
          %get3A_254 = arith.index_cast %add3A_253 : i32 to index
          %get3A_255 = tpu.vector_load %arg7[%get3A_254] {strides = array<i32>} : memref<100352xf32, #tpu.memory_space<vmem>>, vector<16xf32>,
          %max3A_256 = arith.maximumf %max3A_244, %get3A_255 : vector<16xf32>
          %scan3A_257 = arith.constant 8 : i32
          %scan3A_258 = arith.addi %scan3A_162, %scan3A_257 : i32
          %mul3A_259 = arith.constant 64 : i32
          %mul3A_260 = arith.muli %scan3A_149, %mul3A_259 : i32
          %add3A_261 = arith.addi %mul3A_260, %scan3A_258 : i32
          %mul3A_262 = arith.constant 16 : i32
          %mul3A_263 = arith.muli %add3A_261, %mul3A_262 : i32
          %add3A_264 = arith.constant 0 : i32
          %add3A_265 = arith.addi %add3A_264, %mul3A_263 : i32
          %get3A_266 = arith.index_cast %add3A_265 : i32 to index
          %get3A_267 = tpu.vector_load %arg7[%get3A_266] {strides = array<i32>} : memref<100352xf32, #tpu.memory_space<vmem>>, vector<16xf32>,
          %max3A_268 = arith.maximumf %max3A_256, %get3A_267 : vector<16xf32>
          %scan3A_269 = arith.constant 9 : i32
          %scan3A_270 = arith.addi %scan3A_162, %scan3A_269 : i32
          %mul3A_271 = arith.constant 64 : i32
          %mul3A_272 = arith.muli %scan3A_149, %mul3A_271 : i32
          %add3A_273 = arith.addi %mul3A_272, %scan3A_270 : i32
          %mul3A_274 = arith.constant 16 : i32
          %mul3A_275 = arith.muli %add3A_273, %mul3A_274 : i32
          %add3A_276 = arith.constant 0 : i32
          %add3A_277 = arith.addi %add3A_276, %mul3A_275 : i32
          %get3A_278 = arith.index_cast %add3A_277 : i32 to index
          %get3A_279 = tpu.vector_load %arg7[%get3A_278] {strides = array<i32>} : memref<100352xf32, #tpu.memory_space<vmem>>, vector<16xf32>,
          %max3A_280 = arith.maximumf %max3A_268, %get3A_279 : vector<16xf32>
          %scan3A_281 = arith.constant 10 : i32
          %scan3A_282 = arith.addi %scan3A_162, %scan3A_281 : i32
          %mul3A_283 = arith.constant 64 : i32
          %mul3A_284 = arith.muli %scan3A_149, %mul3A_283 : i32
          %add3A_285 = arith.addi %mul3A_284, %scan3A_282 : i32
          %mul3A_286 = arith.constant 16 : i32
          %mul3A_287 = arith.muli %add3A_285, %mul3A_286 : i32
          %add3A_288 = arith.constant 0 : i32
          %add3A_289 = arith.addi %add3A_288, %mul3A_287 : i32
          %get3A_290 = arith.index_cast %add3A_289 : i32 to index
          %get3A_291 = tpu.vector_load %arg7[%get3A_290] {strides = array<i32>} : memref<100352xf32, #tpu.memory_space<vmem>>, vector<16xf32>,
          %max3A_292 = arith.maximumf %max3A_280, %get3A_291 : vector<16xf32>
          %scan3A_293 = arith.constant 11 : i32
          %scan3A_294 = arith.addi %scan3A_162, %scan3A_293 : i32
          %mul3A_295 = arith.constant 64 : i32
          %mul3A_296 = arith.muli %scan3A_149, %mul3A_295 : i32
          %add3A_297 = arith.addi %mul3A_296, %scan3A_294 : i32
          %mul3A_298 = arith.constant 16 : i32
          %mul3A_299 = arith.muli %add3A_297, %mul3A_298 : i32
          %add3A_300 = arith.constant 0 : i32
          %add3A_301 = arith.addi %add3A_300, %mul3A_299 : i32
          %get3A_302 = arith.index_cast %add3A_301 : i32 to index
          %get3A_303 = tpu.vector_load %arg7[%get3A_302] {strides = array<i32>} : memref<100352xf32, #tpu.memory_space<vmem>>, vector<16xf32>,
          %max3A_304 = arith.maximumf %max3A_292, %get3A_303 : vector<16xf32>
          %scan3A_305 = arith.constant 12 : i32
          %scan3A_306 = arith.addi %scan3A_162, %scan3A_305 : i32
          %mul3A_307 = arith.constant 64 : i32
          %mul3A_308 = arith.muli %scan3A_149, %mul3A_307 : i32
          %add3A_309 = arith.addi %mul3A_308, %scan3A_306 : i32
          %mul3A_310 = arith.constant 16 : i32
          %mul3A_311 = arith.muli %add3A_309, %mul3A_310 : i32
          %add3A_312 = arith.constant 0 : i32
          %add3A_313 = arith.addi %add3A_312, %mul3A_311 : i32
          %get3A_314 = arith.index_cast %add3A_313 : i32 to index
          %get3A_315 = tpu.vector_load %arg7[%get3A_314] {strides = array<i32>} : memref<100352xf32, #tpu.memory_space<vmem>>, vector<16xf32>,
          %max3A_316 = arith.maximumf %max3A_304, %get3A_315 : vector<16xf32>
          %scan3A_317 = arith.constant 13 : i32
          %scan3A_318 = arith.addi %scan3A_162, %scan3A_317 : i32
          %mul3A_319 = arith.constant 64 : i32
          %mul3A_320 = arith.muli %scan3A_149, %mul3A_319 : i32
          %add3A_321 = arith.addi %mul3A_320, %scan3A_318 : i32
          %mul3A_322 = arith.constant 16 : i32
          %mul3A_323 = arith.muli %add3A_321, %mul3A_322 : i32
          %add3A_324 = arith.constant 0 : i32
          %add3A_325 = arith.addi %add3A_324, %mul3A_323 : i32
          %get3A_326 = arith.index_cast %add3A_325 : i32 to index
          %get3A_327 = tpu.vector_load %arg7[%get3A_326] {strides = array<i32>} : memref<100352xf32, #tpu.memory_space<vmem>>, vector<16xf32>,
          %max3A_328 = arith.maximumf %max3A_316, %get3A_327 : vector<16xf32>
          %scan3A_329 = arith.constant 14 : i32
          %scan3A_330 = arith.addi %scan3A_162, %scan3A_329 : i32
          %mul3A_331 = arith.constant 64 : i32
          %mul3A_332 = arith.muli %scan3A_149, %mul3A_331 : i32
          %add3A_333 = arith.addi %mul3A_332, %scan3A_330 : i32
          %mul3A_334 = arith.constant 16 : i32
          %mul3A_335 = arith.muli %add3A_333, %mul3A_334 : i32
          %add3A_336 = arith.constant 0 : i32
          %add3A_337 = arith.addi %add3A_336, %mul3A_335 : i32
          %get3A_338 = arith.index_cast %add3A_337 : i32 to index
          %get3A_339 = tpu.vector_load %arg7[%get3A_338] {strides = array<i32>} : memref<100352xf32, #tpu.memory_space<vmem>>, vector<16xf32>,
          %max3A_340 = arith.maximumf %max3A_328, %get3A_339 : vector<16xf32>
          %scan3A_341 = arith.constant 15 : i32
          %scan3A_342 = arith.addi %scan3A_162, %scan3A_341 : i32
          %mul3A_343 = arith.constant 64 : i32
          %mul3A_344 = arith.muli %scan3A_149, %mul3A_343 : i32
          %add3A_345 = arith.addi %mul3A_344, %scan3A_342 : i32
          %mul3A_346 = arith.constant 16 : i32
          %mul3A_347 = arith.muli %add3A_345, %mul3A_346 : i32
          %add3A_348 = arith.constant 0 : i32
          %add3A_349 = arith.addi %add3A_348, %mul3A_347 : i32
          %get3A_350 = arith.index_cast %add3A_349 : i32 to index
          %get3A_351 = tpu.vector_load %arg7[%get3A_350] {strides = array<i32>} : memref<100352xf32, #tpu.memory_space<vmem>>, vector<16xf32>,
          %max3A_352 = arith.maximumf %max3A_340, %get3A_351 : vector<16xf32>
          scf.yield %max3A_352 : vector<16xf32>
        }
        %scan3A_156 = arith.constant 64 : i32
        %mul3A_157 = arith.constant 16 : i32
        %mul3A_158 = arith.muli %scan3A_149, %mul3A_157 : i32
        %swap3A_159 = arith.index_cast %mul3A_158 : i32 to index
        %swap3A_160 = tpu.vector_load %arg8[%swap3A_159] {strides = array<i32>} : memref<1568xf32, #tpu.memory_space<vmem>>, vector<16xf32>,
        tpu.vector_store %arg8[%swap3A_159], %scan3A_155 {strides = array<i32>} : memref<1568xf32, #tpu.memory_space<vmem>>, vector<16xf32>,
        %scan3A_161 = arith.constant 0 : i32
        scf.yield %scan3A_161 : i32
      }
      %scan3A_100 = arith.constant 48 : i32
      %dma_wait3A_101 = arith.constant 49152 : i32
      %dma_wait3A_102 = tpu.memref_slice %arg7[%dma_wait3A_101] : memref<100352xf32, #tpu.memory_space<vmem>> -> memref<50848xf32, #tpu.memory_space<vmem>>
      %dma_wait3A_103 = arith.constant 49152 : i32
      %dma_wait3A_104 = tpu.memref_slice %arg2[%add3A_63, %dma_wait3A_103] : memref<256x100000xf32, #tpu.memory_space<hbm>> -> memref<1x50848xf32, #tpu.memory_space<hbm>>
      %dma_wait3A_105 = tpu.memref_squeeze %dma_wait3A_104 : memref<1x50848xf32, #tpu.memory_space<hbm>> -> memref<50848xf32, #tpu.memory_space<hbm>>
      %dma_wait3A_106 = arith.constant 49152 : i32
      %dma_wait3A_107 = tpu.memref_slice %arg7[%dma_wait3A_106] : memref<100352xf32, #tpu.memory_space<vmem>> -> memref<50848xf32, #tpu.memory_space<vmem>>
      %dma_wait3A_108 = arith.constant 49152 : i32
      %dma_wait3A_109 = tpu.memref_slice %arg2[%add3A_63, %dma_wait3A_108] : memref<256x100000xf32, #tpu.memory_space<hbm>> -> memref<1x50848xf32, #tpu.memory_space<hbm>>
      %dma_wait3A_110 = tpu.memref_squeeze %dma_wait3A_109 : memref<1x50848xf32, #tpu.memory_space<hbm>> -> memref<50848xf32, #tpu.memory_space<hbm>>
      tpu.wait_dma2 semaphore(%arg17 : memref<!tpu.dma_semaphore, #tpu.memory_space<semaphore_mem>>) src(%dma_wait3A_110 : memref<50848xf32, #tpu.memory_space<hbm>>) dst(%dma_wait3A_107 : memref<50848xf32, #tpu.memory_space<vmem>>)
      %broadcast_in_dim3A_111 = arith.constant 0xFF800000 : f32
      %broadcast_in_dim3A_112 = vector.broadcast %broadcast_in_dim3A_111 : f32 to vector<16xf32>
      %scan3A_113 = arith.constant 0 : i32
      %scan3A_114 = arith.constant 48 : i32
      %scan3A_115 = arith.constant 50 : i32
      %scan3A_116 = arith.addi %scan3A_114, %scan3A_115 : i32
      %scan3A_117 = arith.constant 1 : i32
      %scan3A_118 = scf.for %scan3A_149 = %scan3A_114 to %scan3A_116 step %scan3A_117 iter_args(%scan3A_150 = %scan3A_113) -> (i32)  : i32 {
        %scan3A_151 = arith.constant 0 : i32
        %scan3A_152 = arith.constant 64 : i32
        %scan3A_153 = arith.addi %scan3A_151, %scan3A_152 : i32
        %scan3A_154 = arith.constant 16 : i32
        %scan3A_155 = scf.for %scan3A_162 = %scan3A_151 to %scan3A_153 step %scan3A_154 iter_args(%scan3A_163 = %broadcast_in_dim3A_112) -> (vector<16xf32>)  : i32 {
          %mul3A_164 = arith.constant 64 : i32
          %mul3A_165 = arith.muli %scan3A_149, %mul3A_164 : i32
          %add3A_166 = arith.addi %mul3A_165, %scan3A_162 : i32
          %mul3A_167 = arith.constant 16 : i32
          %mul3A_168 = arith.muli %add3A_166, %mul3A_167 : i32
          %add3A_169 = arith.constant 0 : i32
          %add3A_170 = arith.addi %add3A_169, %mul3A_168 : i32
          %get3A_171 = arith.index_cast %add3A_170 : i32 to index
          %get3A_172 = tpu.vector_load %arg7[%get3A_171] {strides = array<i32>} : memref<100352xf32, #tpu.memory_space<vmem>>, vector<16xf32>,
          %max3A = arith.maximumf %scan3A_163, %get3A_172 : vector<16xf32>
          %scan3A_173 = arith.constant 1 : i32
          %scan3A_174 = arith.addi %scan3A_162, %scan3A_173 : i32
          %mul3A_175 = arith.constant 64 : i32
          %mul3A_176 = arith.muli %scan3A_149, %mul3A_175 : i32
          %add3A_177 = arith.addi %mul3A_176, %scan3A_174 : i32
          %mul3A_178 = arith.constant 16 : i32
          %mul3A_179 = arith.muli %add3A_177, %mul3A_178 : i32
          %add3A_180 = arith.constant 0 : i32
          %add3A_181 = arith.addi %add3A_180, %mul3A_179 : i32
          %get3A_182 = arith.index_cast %add3A_181 : i32 to index
          %get3A_183 = tpu.vector_load %arg7[%get3A_182] {strides = array<i32>} : memref<100352xf32, #tpu.memory_space<vmem>>, vector<16xf32>,
          %max3A_184 = arith.maximumf %max3A, %get3A_183 : vector<16xf32>
          %scan3A_185 = arith.constant 2 : i32
          %scan3A_186 = arith.addi %scan3A_162, %scan3A_185 : i32
          %mul3A_187 = arith.constant 64 : i32
          %mul3A_188 = arith.muli %scan3A_149, %mul3A_187 : i32
          %add3A_189 = arith.addi %mul3A_188, %scan3A_186 : i32
          %mul3A_190 = arith.constant 16 : i32
          %mul3A_191 = arith.muli %add3A_189, %mul3A_190 : i32
          %add3A_192 = arith.constant 0 : i32
          %add3A_193 = arith.addi %add3A_192, %mul3A_191 : i32
          %get3A_194 = arith.index_cast %add3A_193 : i32 to index
          %get3A_195 = tpu.vector_load %arg7[%get3A_194] {strides = array<i32>} : memref<100352xf32, #tpu.memory_space<vmem>>, vector<16xf32>,
          %max3A_196 = arith.maximumf %max3A_184, %get3A_195 : vector<16xf32>
          %scan3A_197 = arith.constant 3 : i32
          %scan3A_198 = arith.addi %scan3A_162, %scan3A_197 : i32
          %mul3A_199 = arith.constant 64 : i32
          %mul3A_200 = arith.muli %scan3A_149, %mul3A_199 : i32
          %add3A_201 = arith.addi %mul3A_200, %scan3A_198 : i32
          %mul3A_202 = arith.constant 16 : i32
          %mul3A_203 = arith.muli %add3A_201, %mul3A_202 : i32
          %add3A_204 = arith.constant 0 : i32
          %add3A_205 = arith.addi %add3A_204, %mul3A_203 : i32
          %get3A_206 = arith.index_cast %add3A_205 : i32 to index
          %get3A_207 = tpu.vector_load %arg7[%get3A_206] {strides = array<i32>} : memref<100352xf32, #tpu.memory_space<vmem>>, vector<16xf32>,
          %max3A_208 = arith.maximumf %max3A_196, %get3A_207 : vector<16xf32>
          %scan3A_209 = arith.constant 4 : i32
          %scan3A_210 = arith.addi %scan3A_162, %scan3A_209 : i32
          %mul3A_211 = arith.constant 64 : i32
          %mul3A_212 = arith.muli %scan3A_149, %mul3A_211 : i32
          %add3A_213 = arith.addi %mul3A_212, %scan3A_210 : i32
          %mul3A_214 = arith.constant 16 : i32
          %mul3A_215 = arith.muli %add3A_213, %mul3A_214 : i32
          %add3A_216 = arith.constant 0 : i32
          %add3A_217 = arith.addi %add3A_216, %mul3A_215 : i32
          %get3A_218 = arith.index_cast %add3A_217 : i32 to index
          %get3A_219 = tpu.vector_load %arg7[%get3A_218] {strides = array<i32>} : memref<100352xf32, #tpu.memory_space<vmem>>, vector<16xf32>,
          %max3A_220 = arith.maximumf %max3A_208, %get3A_219 : vector<16xf32>
          %scan3A_221 = arith.constant 5 : i32
          %scan3A_222 = arith.addi %scan3A_162, %scan3A_221 : i32
          %mul3A_223 = arith.constant 64 : i32
          %mul3A_224 = arith.muli %scan3A_149, %mul3A_223 : i32
          %add3A_225 = arith.addi %mul3A_224, %scan3A_222 : i32
          %mul3A_226 = arith.constant 16 : i32
          %mul3A_227 = arith.muli %add3A_225, %mul3A_226 : i32
          %add3A_228 = arith.constant 0 : i32
          %add3A_229 = arith.addi %add3A_228, %mul3A_227 : i32
          %get3A_230 = arith.index_cast %add3A_229 : i32 to index
          %get3A_231 = tpu.vector_load %arg7[%get3A_230] {strides = array<i32>} : memref<100352xf32, #tpu.memory_space<vmem>>, vector<16xf32>,
          %max3A_232 = arith.maximumf %max3A_220, %get3A_231 : vector<16xf32>
          %scan3A_233 = arith.constant 6 : i32
          %scan3A_234 = arith.addi %scan3A_162, %scan3A_233 : i32
          %mul3A_235 = arith.constant 64 : i32
          %mul3A_236 = arith.muli %scan3A_149, %mul3A_235 : i32
          %add3A_237 = arith.addi %mul3A_236, %scan3A_234 : i32
          %mul3A_238 = arith.constant 16 : i32
          %mul3A_239 = arith.muli %add3A_237, %mul3A_238 : i32
          %add3A_240 = arith.constant 0 : i32
          %add3A_241 = arith.addi %add3A_240, %mul3A_239 : i32
          %get3A_242 = arith.index_cast %add3A_241 : i32 to index
          %get3A_243 = tpu.vector_load %arg7[%get3A_242] {strides = array<i32>} : memref<100352xf32, #tpu.memory_space<vmem>>, vector<16xf32>,
          %max3A_244 = arith.maximumf %max3A_232, %get3A_243 : vector<16xf32>
          %scan3A_245 = arith.constant 7 : i32
          %scan3A_246 = arith.addi %scan3A_162, %scan3A_245 : i32
          %mul3A_247 = arith.constant 64 : i32
          %mul3A_248 = arith.muli %scan3A_149, %mul3A_247 : i32
          %add3A_249 = arith.addi %mul3A_248, %scan3A_246 : i32
          %mul3A_250 = arith.constant 16 : i32
          %mul3A_251 = arith.muli %add3A_249, %mul3A_250 : i32
          %add3A_252 = arith.constant 0 : i32
          %add3A_253 = arith.addi %add3A_252, %mul3A_251 : i32
          %get3A_254 = arith.index_cast %add3A_253 : i32 to index
          %get3A_255 = tpu.vector_load %arg7[%get3A_254] {strides = array<i32>} : memref<100352xf32, #tpu.memory_space<vmem>>, vector<16xf32>,
          %max3A_256 = arith.maximumf %max3A_244, %get3A_255 : vector<16xf32>
          %scan3A_257 = arith.constant 8 : i32
          %scan3A_258 = arith.addi %scan3A_162, %scan3A_257 : i32
          %mul3A_259 = arith.constant 64 : i32
          %mul3A_260 = arith.muli %scan3A_149, %mul3A_259 : i32
          %add3A_261 = arith.addi %mul3A_260, %scan3A_258 : i32
          %mul3A_262 = arith.constant 16 : i32
          %mul3A_263 = arith.muli %add3A_261, %mul3A_262 : i32
          %add3A_264 = arith.constant 0 : i32
          %add3A_265 = arith.addi %add3A_264, %mul3A_263 : i32
          %get3A_266 = arith.index_cast %add3A_265 : i32 to index
          %get3A_267 = tpu.vector_load %arg7[%get3A_266] {strides = array<i32>} : memref<100352xf32, #tpu.memory_space<vmem>>, vector<16xf32>,
          %max3A_268 = arith.maximumf %max3A_256, %get3A_267 : vector<16xf32>
          %scan3A_269 = arith.constant 9 : i32
          %scan3A_270 = arith.addi %scan3A_162, %scan3A_269 : i32
          %mul3A_271 = arith.constant 64 : i32
          %mul3A_272 = arith.muli %scan3A_149, %mul3A_271 : i32
          %add3A_273 = arith.addi %mul3A_272, %scan3A_270 : i32
          %mul3A_274 = arith.constant 16 : i32
          %mul3A_275 = arith.muli %add3A_273, %mul3A_274 : i32
          %add3A_276 = arith.constant 0 : i32
          %add3A_277 = arith.addi %add3A_276, %mul3A_275 : i32
          %get3A_278 = arith.index_cast %add3A_277 : i32 to index
          %get3A_279 = tpu.vector_load %arg7[%get3A_278] {strides = array<i32>} : memref<100352xf32, #tpu.memory_space<vmem>>, vector<16xf32>,
          %max3A_280 = arith.maximumf %max3A_268, %get3A_279 : vector<16xf32>
          %scan3A_281 = arith.constant 10 : i32
          %scan3A_282 = arith.addi %scan3A_162, %scan3A_281 : i32
          %mul3A_283 = arith.constant 64 : i32
          %mul3A_284 = arith.muli %scan3A_149, %mul3A_283 : i32
          %add3A_285 = arith.addi %mul3A_284, %scan3A_282 : i32
          %mul3A_286 = arith.constant 16 : i32
          %mul3A_287 = arith.muli %add3A_285, %mul3A_286 : i32
          %add3A_288 = arith.constant 0 : i32
          %add3A_289 = arith.addi %add3A_288, %mul3A_287 : i32
          %get3A_290 = arith.index_cast %add3A_289 : i32 to index
          %get3A_291 = tpu.vector_load %arg7[%get3A_290] {strides = array<i32>} : memref<100352xf32, #tpu.memory_space<vmem>>, vector<16xf32>,
          %max3A_292 = arith.maximumf %max3A_280, %get3A_291 : vector<16xf32>
          %scan3A_293 = arith.constant 11 : i32
          %scan3A_294 = arith.addi %scan3A_162, %scan3A_293 : i32
          %mul3A_295 = arith.constant 64 : i32
          %mul3A_296 = arith.muli %scan3A_149, %mul3A_295 : i32
          %add3A_297 = arith.addi %mul3A_296, %scan3A_294 : i32
          %mul3A_298 = arith.constant 16 : i32
          %mul3A_299 = arith.muli %add3A_297, %mul3A_298 : i32
          %add3A_300 = arith.constant 0 : i32
          %add3A_301 = arith.addi %add3A_300, %mul3A_299 : i32
          %get3A_302 = arith.index_cast %add3A_301 : i32 to index
          %get3A_303 = tpu.vector_load %arg7[%get3A_302] {strides = array<i32>} : memref<100352xf32, #tpu.memory_space<vmem>>, vector<16xf32>,
          %max3A_304 = arith.maximumf %max3A_292, %get3A_303 : vector<16xf32>
          %scan3A_305 = arith.constant 12 : i32
          %scan3A_306 = arith.addi %scan3A_162, %scan3A_305 : i32
          %mul3A_307 = arith.constant 64 : i32
          %mul3A_308 = arith.muli %scan3A_149, %mul3A_307 : i32
          %add3A_309 = arith.addi %mul3A_308, %scan3A_306 : i32
          %mul3A_310 = arith.constant 16 : i32
          %mul3A_311 = arith.muli %add3A_309, %mul3A_310 : i32
          %add3A_312 = arith.constant 0 : i32
          %add3A_313 = arith.addi %add3A_312, %mul3A_311 : i32
          %get3A_314 = arith.index_cast %add3A_313 : i32 to index
          %get3A_315 = tpu.vector_load %arg7[%get3A_314] {strides = array<i32>} : memref<100352xf32, #tpu.memory_space<vmem>>, vector<16xf32>,
          %max3A_316 = arith.maximumf %max3A_304, %get3A_315 : vector<16xf32>
          %scan3A_317 = arith.constant 13 : i32
          %scan3A_318 = arith.addi %scan3A_162, %scan3A_317 : i32
          %mul3A_319 = arith.constant 64 : i32
          %mul3A_320 = arith.muli %scan3A_149, %mul3A_319 : i32
          %add3A_321 = arith.addi %mul3A_320, %scan3A_318 : i32
          %mul3A_322 = arith.constant 16 : i32
          %mul3A_323 = arith.muli %add3A_321, %mul3A_322 : i32
          %add3A_324 = arith.constant 0 : i32
          %add3A_325 = arith.addi %add3A_324, %mul3A_323 : i32
          %get3A_326 = arith.index_cast %add3A_325 : i32 to index
          %get3A_327 = tpu.vector_load %arg7[%get3A_326] {strides = array<i32>} : memref<100352xf32, #tpu.memory_space<vmem>>, vector<16xf32>,
          %max3A_328 = arith.maximumf %max3A_316, %get3A_327 : vector<16xf32>
          %scan3A_329 = arith.constant 14 : i32
          %scan3A_330 = arith.addi %scan3A_162, %scan3A_329 : i32
          %mul3A_331 = arith.constant 64 : i32
          %mul3A_332 = arith.muli %scan3A_149, %mul3A_331 : i32
          %add3A_333 = arith.addi %mul3A_332, %scan3A_330 : i32
          %mul3A_334 = arith.constant 16 : i32
          %mul3A_335 = arith.muli %add3A_333, %mul3A_334 : i32
          %add3A_336 = arith.constant 0 : i32
          %add3A_337 = arith.addi %add3A_336, %mul3A_335 : i32
          %get3A_338 = arith.index_cast %add3A_337 : i32 to index
          %get3A_339 = tpu.vector_load %arg7[%get3A_338] {strides = array<i32>} : memref<100352xf32, #tpu.memory_space<vmem>>, vector<16xf32>,
          %max3A_340 = arith.maximumf %max3A_328, %get3A_339 : vector<16xf32>
          %scan3A_341 = arith.constant 15 : i32
          %scan3A_342 = arith.addi %scan3A_162, %scan3A_341 : i32
          %mul3A_343 = arith.constant 64 : i32
          %mul3A_344 = arith.muli %scan3A_149, %mul3A_343 : i32
          %add3A_345 = arith.addi %mul3A_344, %scan3A_342 : i32
          %mul3A_346 = arith.constant 16 : i32
          %mul3A_347 = arith.muli %add3A_345, %mul3A_346 : i32
          %add3A_348 = arith.constant 0 : i32
          %add3A_349 = arith.addi %add3A_348, %mul3A_347 : i32
          %get3A_350 = arith.index_cast %add3A_349 : i32 to index
          %get3A_351 = tpu.vector_load %arg7[%get3A_350] {strides = array<i32>} : memref<100352xf32, #tpu.memory_space<vmem>>, vector<16xf32>,
          %max3A_352 = arith.maximumf %max3A_340, %get3A_351 : vector<16xf32>
          scf.yield %max3A_352 : vector<16xf32>
        }
        %scan3A_156 = arith.constant 64 : i32
        %mul3A_157 = arith.constant 16 : i32
        %mul3A_158 = arith.muli %scan3A_149, %mul3A_157 : i32
        %swap3A_159 = arith.index_cast %mul3A_158 : i32 to index
        %swap3A_160 = tpu.vector_load %arg8[%swap3A_159] {strides = array<i32>} : memref<1568xf32, #tpu.memory_space<vmem>>, vector<16xf32>,
        tpu.vector_store %arg8[%swap3A_159], %scan3A_155 {strides = array<i32>} : memref<1568xf32, #tpu.memory_space<vmem>>, vector<16xf32>,
        %scan3A_161 = arith.constant 0 : i32
        scf.yield %scan3A_161 : i32
      }
      %scan3A_119 = arith.constant 50 : i32
      %get3A = arith.constant 0 : index
      %get3A_120 = tpu.vector_load %arg12[%get3A] {strides = array<i32>} : memref<16xf32, #tpu.memory_space<vmem>>, vector<16xf32>,
      %broadcast_in_dim3A_121 = arith.constant 0xFF800000 : f32
      %broadcast_in_dim3A_122 = vector.broadcast %broadcast_in_dim3A_121 : f32 to vector<16xf32>
      %scan3A_123 = arith.constant 0 : i32
      %scan3A_124 = arith.constant 0 : i32
      %scan3A_125 = arith.constant 7 : i32
      %scan3A_126 = arith.addi %scan3A_124, %scan3A_125 : i32
      %scan3A_127 = arith.constant 1 : i32
      %scan3A_128 = scf.for %scan3A_149 = %scan3A_124 to %scan3A_126 step %scan3A_127 iter_args(%scan3A_150 = %scan3A_123) -> (i32)  : i32 {
        %scan3A_151 = arith.constant 0 : i32
        %mul3A_152 = arith.constant 14 : i32
        %mul3A_153 = arith.muli %scan3A_149, %mul3A_152 : i32
        %add3A_154 = arith.addi %mul3A_153, %scan3A_151 : i32
        %mul3A_155 = arith.constant 16 : i32
        %mul3A_156 = arith.muli %add3A_154, %mul3A_155 : i32
        %get3A_157 = arith.index_cast %mul3A_156 : i32 to index
        %get3A_158 = tpu.vector_load %arg8[%get3A_157] {strides = array<i32>} : memref<1568xf32, #tpu.memory_space<vmem>>, vector<16xf32>,
        %max3A = arith.maximumf %broadcast_in_dim3A_122, %get3A_158 : vector<16xf32>
        %scan3A_159 = arith.constant 1 : i32
        %mul3A_160 = arith.constant 14 : i32
        %mul3A_161 = arith.muli %scan3A_149, %mul3A_160 : i32
        %add3A_162 = arith.addi %mul3A_161, %scan3A_159 : i32
        %mul3A_163 = arith.constant 16 : i32
        %mul3A_164 = arith.muli %add3A_162, %mul3A_163 : i32
        %get3A_165 = arith.index_cast %mul3A_164 : i32 to index
        %get3A_166 = tpu.vector_load %arg8[%get3A_165] {strides = array<i32>} : memref<1568xf32, #tpu.memory_space<vmem>>, vector<16xf32>,
        %max3A_167 = arith.maximumf %max3A, %get3A_166 : vector<16xf32>
        %scan3A_168 = arith.constant 2 : i32
        %mul3A_169 = arith.constant 14 : i32
        %mul3A_170 = arith.muli %scan3A_149, %mul3A_169 : i32
        %add3A_171 = arith.addi %mul3A_170, %scan3A_168 : i32
        %mul3A_172 = arith.constant 16 : i32
        %mul3A_173 = arith.muli %add3A_171, %mul3A_172 : i32
        %get3A_174 = arith.index_cast %mul3A_173 : i32 to index
        %get3A_175 = tpu.vector_load %arg8[%get3A_174] {strides = array<i32>} : memref<1568xf32, #tpu.memory_space<vmem>>, vector<16xf32>,
        %max3A_176 = arith.maximumf %max3A_167, %get3A_175 : vector<16xf32>
        %scan3A_177 = arith.constant 3 : i32
        %mul3A_178 = arith.constant 14 : i32
        %mul3A_179 = arith.muli %scan3A_149, %mul3A_178 : i32
        %add3A_180 = arith.addi %mul3A_179, %scan3A_177 : i32
        %mul3A_181 = arith.constant 16 : i32
        %mul3A_182 = arith.muli %add3A_180, %mul3A_181 : i32
        %get3A_183 = arith.index_cast %mul3A_182 : i32 to index
        %get3A_184 = tpu.vector_load %arg8[%get3A_183] {strides = array<i32>} : memref<1568xf32, #tpu.memory_space<vmem>>, vector<16xf32>,
        %max3A_185 = arith.maximumf %max3A_176, %get3A_184 : vector<16xf32>
        %scan3A_186 = arith.constant 4 : i32
        %mul3A_187 = arith.constant 14 : i32
        %mul3A_188 = arith.muli %scan3A_149, %mul3A_187 : i32
        %add3A_189 = arith.addi %mul3A_188, %scan3A_186 : i32
        %mul3A_190 = arith.constant 16 : i32
        %mul3A_191 = arith.muli %add3A_189, %mul3A_190 : i32
        %get3A_192 = arith.index_cast %mul3A_191 : i32 to index
        %get3A_193 = tpu.vector_load %arg8[%get3A_192] {strides = array<i32>} : memref<1568xf32, #tpu.memory_space<vmem>>, vector<16xf32>,
        %max3A_194 = arith.maximumf %max3A_185, %get3A_193 : vector<16xf32>
        %scan3A_195 = arith.constant 5 : i32
        %mul3A_196 = arith.constant 14 : i32
        %mul3A_197 = arith.muli %scan3A_149, %mul3A_196 : i32
        %add3A_198 = arith.addi %mul3A_197, %scan3A_195 : i32
        %mul3A_199 = arith.constant 16 : i32
        %mul3A_200 = arith.muli %add3A_198, %mul3A_199 : i32
        %get3A_201 = arith.index_cast %mul3A_200 : i32 to index
        %get3A_202 = tpu.vector_load %arg8[%get3A_201] {strides = array<i32>} : memref<1568xf32, #tpu.memory_space<vmem>>, vector<16xf32>,
        %max3A_203 = arith.maximumf %max3A_194, %get3A_202 : vector<16xf32>
        %scan3A_204 = arith.constant 6 : i32
        %mul3A_205 = arith.constant 14 : i32
        %mul3A_206 = arith.muli %scan3A_149, %mul3A_205 : i32
        %add3A_207 = arith.addi %mul3A_206, %scan3A_204 : i32
        %mul3A_208 = arith.constant 16 : i32
        %mul3A_209 = arith.muli %add3A_207, %mul3A_208 : i32
        %get3A_210 = arith.index_cast %mul3A_209 : i32 to index
        %get3A_211 = tpu.vector_load %arg8[%get3A_210] {strides = array<i32>} : memref<1568xf32, #tpu.memory_space<vmem>>, vector<16xf32>,
        %max3A_212 = arith.maximumf %max3A_203, %get3A_211 : vector<16xf32>
        %scan3A_213 = arith.constant 7 : i32
        %mul3A_214 = arith.constant 14 : i32
        %mul3A_215 = arith.muli %scan3A_149, %mul3A_214 : i32
        %add3A_216 = arith.addi %mul3A_215, %scan3A_213 : i32
        %mul3A_217 = arith.constant 16 : i32
        %mul3A_218 = arith.muli %add3A_216, %mul3A_217 : i32
        %get3A_219 = arith.index_cast %mul3A_218 : i32 to index
        %get3A_220 = tpu.vector_load %arg8[%get3A_219] {strides = array<i32>} : memref<1568xf32, #tpu.memory_space<vmem>>, vector<16xf32>,
        %max3A_221 = arith.maximumf %max3A_212, %get3A_220 : vector<16xf32>
        %scan3A_222 = arith.constant 8 : i32
        %mul3A_223 = arith.constant 14 : i32
        %mul3A_224 = arith.muli %scan3A_149, %mul3A_223 : i32
        %add3A_225 = arith.addi %mul3A_224, %scan3A_222 : i32
        %mul3A_226 = arith.constant 16 : i32
        %mul3A_227 = arith.muli %add3A_225, %mul3A_226 : i32
        %get3A_228 = arith.index_cast %mul3A_227 : i32 to index
        %get3A_229 = tpu.vector_load %arg8[%get3A_228] {strides = array<i32>} : memref<1568xf32, #tpu.memory_space<vmem>>, vector<16xf32>,
        %max3A_230 = arith.maximumf %max3A_221, %get3A_229 : vector<16xf32>
        %scan3A_231 = arith.constant 9 : i32
        %mul3A_232 = arith.constant 14 : i32
        %mul3A_233 = arith.muli %scan3A_149, %mul3A_232 : i32
        %add3A_234 = arith.addi %mul3A_233, %scan3A_231 : i32
        %mul3A_235 = arith.constant 16 : i32
        %mul3A_236 = arith.muli %add3A_234, %mul3A_235 : i32
        %get3A_237 = arith.index_cast %mul3A_236 : i32 to index
        %get3A_238 = tpu.vector_load %arg8[%get3A_237] {strides = array<i32>} : memref<1568xf32, #tpu.memory_space<vmem>>, vector<16xf32>,
        %max3A_239 = arith.maximumf %max3A_230, %get3A_238 : vector<16xf32>
        %scan3A_240 = arith.constant 10 : i32
        %mul3A_241 = arith.constant 14 : i32
        %mul3A_242 = arith.muli %scan3A_149, %mul3A_241 : i32
        %add3A_243 = arith.addi %mul3A_242, %scan3A_240 : i32
        %mul3A_244 = arith.constant 16 : i32
        %mul3A_245 = arith.muli %add3A_243, %mul3A_244 : i32
        %get3A_246 = arith.index_cast %mul3A_245 : i32 to index
        %get3A_247 = tpu.vector_load %arg8[%get3A_246] {strides = array<i32>} : memref<1568xf32, #tpu.memory_space<vmem>>, vector<16xf32>,
        %max3A_248 = arith.maximumf %max3A_239, %get3A_247 : vector<16xf32>
        %scan3A_249 = arith.constant 11 : i32
        %mul3A_250 = arith.constant 14 : i32
        %mul3A_251 = arith.muli %scan3A_149, %mul3A_250 : i32
        %add3A_252 = arith.addi %mul3A_251, %scan3A_249 : i32
        %mul3A_253 = arith.constant 16 : i32
        %mul3A_254 = arith.muli %add3A_252, %mul3A_253 : i32
        %get3A_255 = arith.index_cast %mul3A_254 : i32 to index
        %get3A_256 = tpu.vector_load %arg8[%get3A_255] {strides = array<i32>} : memref<1568xf32, #tpu.memory_space<vmem>>, vector<16xf32>,
        %max3A_257 = arith.maximumf %max3A_248, %get3A_256 : vector<16xf32>
        %scan3A_258 = arith.constant 12 : i32
        %mul3A_259 = arith.constant 14 : i32
        %mul3A_260 = arith.muli %scan3A_149, %mul3A_259 : i32
        %add3A_261 = arith.addi %mul3A_260, %scan3A_258 : i32
        %mul3A_262 = arith.constant 16 : i32
        %mul3A_263 = arith.muli %add3A_261, %mul3A_262 : i32
        %get3A_264 = arith.index_cast %mul3A_263 : i32 to index
        %get3A_265 = tpu.vector_load %arg8[%get3A_264] {strides = array<i32>} : memref<1568xf32, #tpu.memory_space<vmem>>, vector<16xf32>,
        %max3A_266 = arith.maximumf %max3A_257, %get3A_265 : vector<16xf32>
        %scan3A_267 = arith.constant 13 : i32
        %mul3A_268 = arith.constant 14 : i32
        %mul3A_269 = arith.muli %scan3A_149, %mul3A_268 : i32
        %add3A_270 = arith.addi %mul3A_269, %scan3A_267 : i32
        %mul3A_271 = arith.constant 16 : i32
        %mul3A_272 = arith.muli %add3A_270, %mul3A_271 : i32
        %get3A_273 = arith.index_cast %mul3A_272 : i32 to index
        %get3A_274 = tpu.vector_load %arg8[%get3A_273] {strides = array<i32>} : memref<1568xf32, #tpu.memory_space<vmem>>, vector<16xf32>,
        %max3A_275 = arith.maximumf %max3A_266, %get3A_274 : vector<16xf32>
        %scan3A_276 = arith.constant 14 : i32
        %mul3A_277 = arith.constant 16 : i32
        %mul3A_278 = arith.muli %scan3A_149, %mul3A_277 : i32
        %swap3A_279 = arith.index_cast %mul3A_278 : i32 to index
        %swap3A_280 = tpu.vector_load %arg9[%swap3A_279] {strides = array<i32>} : memref<112xf32, #tpu.memory_space<vmem>>, vector<16xf32>,
        tpu.vector_store %arg9[%swap3A_279], %max3A_275 {strides = array<i32>} : memref<112xf32, #tpu.memory_space<vmem>>, vector<16xf32>,
        %scan3A_281 = arith.constant 0 : i32
        scf.yield %scan3A_281 : i32
      }
      %scan3A_129 = arith.constant 7 : i32
      %broadcast_in_dim3A_130 = arith.constant 0 : i32
      %broadcast_in_dim3A_131 = vector.broadcast %broadcast_in_dim3A_130 : i32 to vector<16xi32>
      %scan3A_132 = arith.constant 0 : i32
      %scan3A_133 = arith.constant 16 : i32
      %scan3A_134 = arith.addi %scan3A_132, %scan3A_133 : i32
      %scan3A_135 = arith.constant 1 : i32
      %scan3A_136:2 = scf.for %scan3A_149 = %scan3A_132 to %scan3A_134 step %scan3A_135 iter_args(%scan3A_150 = %broadcast_in_dim3A_122, %scan3A_151 = %broadcast_in_dim3A_131) -> (vector<16xf32>, vector<16xi32>)  : i32 {
        %broadcast_in_dim3A_152 = arith.constant 0 : i32
        %broadcast_in_dim3A_153 = vector.broadcast %broadcast_in_dim3A_152 : i32 to vector<16xi32>
        %scan3A_154 = arith.constant 0 : i32
        %mul3A_155 = arith.constant 16 : i32
        %mul3A_156 = arith.muli %scan3A_154, %mul3A_155 : i32
        %get3A_157 = arith.index_cast %mul3A_156 : i32 to index
        %get3A_158 = tpu.vector_load %arg9[%get3A_157] {strides = array<i32>} : memref<112xf32, #tpu.memory_space<vmem>>, vector<16xf32>,
        %gt3A = arith.cmpf ogt, %get3A_158, %broadcast_in_dim3A_122 : vector<16xf32>
        %select_n3A_159 = arith.select %gt3A, %get3A_158, %broadcast_in_dim3A_122 : vector<16xi1>, vector<16xf32>
        %broadcast_in_dim3A_160 = vector.broadcast %scan3A_154 : i32 to vector<16xi32>
        %select_n3A_161 = arith.select %gt3A, %broadcast_in_dim3A_160, %broadcast_in_dim3A_153 : vector<16xi1>, vector<16xi32>
        %scan3A_162 = arith.constant 1 : i32
        %mul3A_163 = arith.constant 16 : i32
        %mul3A_164 = arith.muli %scan3A_162, %mul3A_163 : i32
        %get3A_165 = arith.index_cast %mul3A_164 : i32 to index
        %get3A_166 = tpu.vector_load %arg9[%get3A_165] {strides = array<i32>} : memref<112xf32, #tpu.memory_space<vmem>>, vector<16xf32>,
        %gt3A_167 = arith.cmpf ogt, %get3A_166, %select_n3A_159 : vector<16xf32>
        %select_n3A_168 = arith.select %gt3A_167, %get3A_166, %select_n3A_159 : vector<16xi1>, vector<16xf32>
        %broadcast_in_dim3A_169 = vector.broadcast %scan3A_162 : i32 to vector<16xi32>
        %select_n3A_170 = arith.select %gt3A_167, %broadcast_in_dim3A_169, %select_n3A_161 : vector<16xi1>, vector<16xi32>
        %scan3A_171 = arith.constant 2 : i32
        %mul3A_172 = arith.constant 16 : i32
        %mul3A_173 = arith.muli %scan3A_171, %mul3A_172 : i32
        %get3A_174 = arith.index_cast %mul3A_173 : i32 to index
        %get3A_175 = tpu.vector_load %arg9[%get3A_174] {strides = array<i32>} : memref<112xf32, #tpu.memory_space<vmem>>, vector<16xf32>,
        %gt3A_176 = arith.cmpf ogt, %get3A_175, %select_n3A_168 : vector<16xf32>
        %select_n3A_177 = arith.select %gt3A_176, %get3A_175, %select_n3A_168 : vector<16xi1>, vector<16xf32>
        %broadcast_in_dim3A_178 = vector.broadcast %scan3A_171 : i32 to vector<16xi32>
        %select_n3A_179 = arith.select %gt3A_176, %broadcast_in_dim3A_178, %select_n3A_170 : vector<16xi1>, vector<16xi32>
        %scan3A_180 = arith.constant 3 : i32
        %mul3A_181 = arith.constant 16 : i32
        %mul3A_182 = arith.muli %scan3A_180, %mul3A_181 : i32
        %get3A_183 = arith.index_cast %mul3A_182 : i32 to index
        %get3A_184 = tpu.vector_load %arg9[%get3A_183] {strides = array<i32>} : memref<112xf32, #tpu.memory_space<vmem>>, vector<16xf32>,
        %gt3A_185 = arith.cmpf ogt, %get3A_184, %select_n3A_177 : vector<16xf32>
        %select_n3A_186 = arith.select %gt3A_185, %get3A_184, %select_n3A_177 : vector<16xi1>, vector<16xf32>
        %broadcast_in_dim3A_187 = vector.broadcast %scan3A_180 : i32 to vector<16xi32>
        %select_n3A_188 = arith.select %gt3A_185, %broadcast_in_dim3A_187, %select_n3A_179 : vector<16xi1>, vector<16xi32>
        %scan3A_189 = arith.constant 4 : i32
        %mul3A_190 = arith.constant 16 : i32
        %mul3A_191 = arith.muli %scan3A_189, %mul3A_190 : i32
        %get3A_192 = arith.index_cast %mul3A_191 : i32 to index
        %get3A_193 = tpu.vector_load %arg9[%get3A_192] {strides = array<i32>} : memref<112xf32, #tpu.memory_space<vmem>>, vector<16xf32>,
        %gt3A_194 = arith.cmpf ogt, %get3A_193, %select_n3A_186 : vector<16xf32>
        %select_n3A_195 = arith.select %gt3A_194, %get3A_193, %select_n3A_186 : vector<16xi1>, vector<16xf32>
        %broadcast_in_dim3A_196 = vector.broadcast %scan3A_189 : i32 to vector<16xi32>
        %select_n3A_197 = arith.select %gt3A_194, %broadcast_in_dim3A_196, %select_n3A_188 : vector<16xi1>, vector<16xi32>
        %scan3A_198 = arith.constant 5 : i32
        %mul3A_199 = arith.constant 16 : i32
        %mul3A_200 = arith.muli %scan3A_198, %mul3A_199 : i32
        %get3A_201 = arith.index_cast %mul3A_200 : i32 to index
        %get3A_202 = tpu.vector_load %arg9[%get3A_201] {strides = array<i32>} : memref<112xf32, #tpu.memory_space<vmem>>, vector<16xf32>,
        %gt3A_203 = arith.cmpf ogt, %get3A_202, %select_n3A_195 : vector<16xf32>
        %select_n3A_204 = arith.select %gt3A_203, %get3A_202, %select_n3A_195 : vector<16xi1>, vector<16xf32>
        %broadcast_in_dim3A_205 = vector.broadcast %scan3A_198 : i32 to vector<16xi32>
        %select_n3A_206 = arith.select %gt3A_203, %broadcast_in_dim3A_205, %select_n3A_197 : vector<16xi1>, vector<16xi32>
        %scan3A_207 = arith.constant 6 : i32
        %mul3A_208 = arith.constant 16 : i32
        %mul3A_209 = arith.muli %scan3A_207, %mul3A_208 : i32
        %get3A_210 = arith.index_cast %mul3A_209 : i32 to index
        %get3A_211 = tpu.vector_load %arg9[%get3A_210] {strides = array<i32>} : memref<112xf32, #tpu.memory_space<vmem>>, vector<16xf32>,
        %gt3A_212 = arith.cmpf ogt, %get3A_211, %select_n3A_204 : vector<16xf32>
        %select_n3A_213 = arith.select %gt3A_212, %get3A_211, %select_n3A_204 : vector<16xi1>, vector<16xf32>
        %broadcast_in_dim3A_214 = vector.broadcast %scan3A_207 : i32 to vector<16xi32>
        %select_n3A_215 = arith.select %gt3A_212, %broadcast_in_dim3A_214, %select_n3A_206 : vector<16xi1>, vector<16xi32>
        %scan3A_216 = arith.constant 7 : i32
        %reduce_max3A = arith.constant true
        %reduce_max3A_217 = vector.broadcast %reduce_max3A : i1 to vector<16xi1>
        %reduce_max3A_218 = tpu.scan <max>, %select_n3A_213 masked %reduce_max3A_217 : vector<16xf32>, vector<16xi1> -> vector<16xf32>
        %reduce_max3A_219 = vector.extract %reduce_max3A_218[15] : f32 from vector<16xf32>
        %eq3A = vector.broadcast %reduce_max3A_219 : f32 to vector<16xf32>
        %eq3A_220 = arith.cmpf oeq, %select_n3A_213, %eq3A : vector<16xf32>
        %jit3A_221 = arith.constant 1073741824 : i32
        %broadcast_in_dim3A_222 = vector.broadcast %jit3A_221 : i32 to vector<16xi32>
        %select_n3A_223 = arith.select %eq3A_220, %select_n3A_215, %broadcast_in_dim3A_222 : vector<16xi1>, vector<16xi32>
        %reduce_min3A = arith.constant true
        %reduce_min3A_224 = vector.broadcast %reduce_min3A : i1 to vector<16xi1>
        %reduce_min3A_225 = arith.constant -2147483648 : i32
        %reduce_min3A_226 = vector.broadcast %reduce_min3A_225 : i32 to vector<16xi32>
        %reduce_min3A_227 = arith.xori %select_n3A_223, %reduce_min3A_226 : vector<16xi32>
        %reduce_min3A_228 = tpu.scan <min>, %reduce_min3A_227 masked %reduce_min3A_224 : vector<16xi32>, vector<16xi1> -> vector<16xi32>
        %reduce_min3A_229 = arith.xori %reduce_min3A_228, %reduce_min3A_226 : vector<16xi32>
        %reduce_min3A_230 = vector.extract %reduce_min3A_229[15] : i32 from vector<16xi32>
        %broadcast_in_dim3A_231 = arith.constant 0 : i32
        %broadcast_in_dim3A_232 = vector.broadcast %broadcast_in_dim3A_231 : i32 to vector<16xi32>
        %scan3A_233 = arith.constant 0 : i32
        %mul3A_234 = arith.constant 14 : i32
        %mul3A_235 = arith.muli %reduce_min3A_230, %mul3A_234 : i32
        %add3A_236 = arith.addi %mul3A_235, %scan3A_233 : i32
        %mul3A_237 = arith.constant 16 : i32
        %mul3A_238 = arith.muli %add3A_236, %mul3A_237 : i32
        %get3A_239 = arith.index_cast %mul3A_238 : i32 to index
        %get3A_240 = tpu.vector_load %arg8[%get3A_239] {strides = array<i32>} : memref<1568xf32, #tpu.memory_space<vmem>>, vector<16xf32>,
        %gt3A_241 = arith.cmpf ogt, %get3A_240, %broadcast_in_dim3A_122 : vector<16xf32>
        %select_n3A_242 = arith.select %gt3A_241, %get3A_240, %broadcast_in_dim3A_122 : vector<16xi1>, vector<16xf32>
        %broadcast_in_dim3A_243 = vector.broadcast %add3A_236 : i32 to vector<16xi32>
        %select_n3A_244 = arith.select %gt3A_241, %broadcast_in_dim3A_243, %broadcast_in_dim3A_232 : vector<16xi1>, vector<16xi32>
        %scan3A_245 = arith.constant 1 : i32
        %mul3A_246 = arith.constant 14 : i32
        %mul3A_247 = arith.muli %reduce_min3A_230, %mul3A_246 : i32
        %add3A_248 = arith.addi %mul3A_247, %scan3A_245 : i32
        %mul3A_249 = arith.constant 16 : i32
        %mul3A_250 = arith.muli %add3A_248, %mul3A_249 : i32
        %get3A_251 = arith.index_cast %mul3A_250 : i32 to index
        %get3A_252 = tpu.vector_load %arg8[%get3A_251] {strides = array<i32>} : memref<1568xf32, #tpu.memory_space<vmem>>, vector<16xf32>,
        %gt3A_253 = arith.cmpf ogt, %get3A_252, %select_n3A_242 : vector<16xf32>
        %select_n3A_254 = arith.select %gt3A_253, %get3A_252, %select_n3A_242 : vector<16xi1>, vector<16xf32>
        %broadcast_in_dim3A_255 = vector.broadcast %add3A_248 : i32 to vector<16xi32>
        %select_n3A_256 = arith.select %gt3A_253, %broadcast_in_dim3A_255, %select_n3A_244 : vector<16xi1>, vector<16xi32>
        %scan3A_257 = arith.constant 2 : i32
        %mul3A_258 = arith.constant 14 : i32
        %mul3A_259 = arith.muli %reduce_min3A_230, %mul3A_258 : i32
        %add3A_260 = arith.addi %mul3A_259, %scan3A_257 : i32
        %mul3A_261 = arith.constant 16 : i32
        %mul3A_262 = arith.muli %add3A_260, %mul3A_261 : i32
        %get3A_263 = arith.index_cast %mul3A_262 : i32 to index
        %get3A_264 = tpu.vector_load %arg8[%get3A_263] {strides = array<i32>} : memref<1568xf32, #tpu.memory_space<vmem>>, vector<16xf32>,
        %gt3A_265 = arith.cmpf ogt, %get3A_264, %select_n3A_254 : vector<16xf32>
        %select_n3A_266 = arith.select %gt3A_265, %get3A_264, %select_n3A_254 : vector<16xi1>, vector<16xf32>
        %broadcast_in_dim3A_267 = vector.broadcast %add3A_260 : i32 to vector<16xi32>
        %select_n3A_268 = arith.select %gt3A_265, %broadcast_in_dim3A_267, %select_n3A_256 : vector<16xi1>, vector<16xi32>
        %scan3A_269 = arith.constant 3 : i32
        %mul3A_270 = arith.constant 14 : i32
        %mul3A_271 = arith.muli %reduce_min3A_230, %mul3A_270 : i32
        %add3A_272 = arith.addi %mul3A_271, %scan3A_269 : i32
        %mul3A_273 = arith.constant 16 : i32
        %mul3A_274 = arith.muli %add3A_272, %mul3A_273 : i32
        %get3A_275 = arith.index_cast %mul3A_274 : i32 to index
        %get3A_276 = tpu.vector_load %arg8[%get3A_275] {strides = array<i32>} : memref<1568xf32, #tpu.memory_space<vmem>>, vector<16xf32>,
        %gt3A_277 = arith.cmpf ogt, %get3A_276, %select_n3A_266 : vector<16xf32>
        %select_n3A_278 = arith.select %gt3A_277, %get3A_276, %select_n3A_266 : vector<16xi1>, vector<16xf32>
        %broadcast_in_dim3A_279 = vector.broadcast %add3A_272 : i32 to vector<16xi32>
        %select_n3A_280 = arith.select %gt3A_277, %broadcast_in_dim3A_279, %select_n3A_268 : vector<16xi1>, vector<16xi32>
        %scan3A_281 = arith.constant 4 : i32
        %mul3A_282 = arith.constant 14 : i32
        %mul3A_283 = arith.muli %reduce_min3A_230, %mul3A_282 : i32
        %add3A_284 = arith.addi %mul3A_283, %scan3A_281 : i32
        %mul3A_285 = arith.constant 16 : i32
        %mul3A_286 = arith.muli %add3A_284, %mul3A_285 : i32
        %get3A_287 = arith.index_cast %mul3A_286 : i32 to index
        %get3A_288 = tpu.vector_load %arg8[%get3A_287] {strides = array<i32>} : memref<1568xf32, #tpu.memory_space<vmem>>, vector<16xf32>,
        %gt3A_289 = arith.cmpf ogt, %get3A_288, %select_n3A_278 : vector<16xf32>
        %select_n3A_290 = arith.select %gt3A_289, %get3A_288, %select_n3A_278 : vector<16xi1>, vector<16xf32>
        %broadcast_in_dim3A_291 = vector.broadcast %add3A_284 : i32 to vector<16xi32>
        %select_n3A_292 = arith.select %gt3A_289, %broadcast_in_dim3A_291, %select_n3A_280 : vector<16xi1>, vector<16xi32>
        %scan3A_293 = arith.constant 5 : i32
        %mul3A_294 = arith.constant 14 : i32
        %mul3A_295 = arith.muli %reduce_min3A_230, %mul3A_294 : i32
        %add3A_296 = arith.addi %mul3A_295, %scan3A_293 : i32
        %mul3A_297 = arith.constant 16 : i32
        %mul3A_298 = arith.muli %add3A_296, %mul3A_297 : i32
        %get3A_299 = arith.index_cast %mul3A_298 : i32 to index
        %get3A_300 = tpu.vector_load %arg8[%get3A_299] {strides = array<i32>} : memref<1568xf32, #tpu.memory_space<vmem>>, vector<16xf32>,
        %gt3A_301 = arith.cmpf ogt, %get3A_300, %select_n3A_290 : vector<16xf32>
        %select_n3A_302 = arith.select %gt3A_301, %get3A_300, %select_n3A_290 : vector<16xi1>, vector<16xf32>
        %broadcast_in_dim3A_303 = vector.broadcast %add3A_296 : i32 to vector<16xi32>
        %select_n3A_304 = arith.select %gt3A_301, %broadcast_in_dim3A_303, %select_n3A_292 : vector<16xi1>, vector<16xi32>
        %scan3A_305 = arith.constant 6 : i32
        %mul3A_306 = arith.constant 14 : i32
        %mul3A_307 = arith.muli %reduce_min3A_230, %mul3A_306 : i32
        %add3A_308 = arith.addi %mul3A_307, %scan3A_305 : i32
        %mul3A_309 = arith.constant 16 : i32
        %mul3A_310 = arith.muli %add3A_308, %mul3A_309 : i32
        %get3A_311 = arith.index_cast %mul3A_310 : i32 to index
        %get3A_312 = tpu.vector_load %arg8[%get3A_311] {strides = array<i32>} : memref<1568xf32, #tpu.memory_space<vmem>>, vector<16xf32>,
        %gt3A_313 = arith.cmpf ogt, %get3A_312, %select_n3A_302 : vector<16xf32>
        %select_n3A_314 = arith.select %gt3A_313, %get3A_312, %select_n3A_302 : vector<16xi1>, vector<16xf32>
        %broadcast_in_dim3A_315 = vector.broadcast %add3A_308 : i32 to vector<16xi32>
        %select_n3A_316 = arith.select %gt3A_313, %broadcast_in_dim3A_315, %select_n3A_304 : vector<16xi1>, vector<16xi32>
        %scan3A_317 = arith.constant 7 : i32
        %mul3A_318 = arith.constant 14 : i32
        %mul3A_319 = arith.muli %reduce_min3A_230, %mul3A_318 : i32
        %add3A_320 = arith.addi %mul3A_319, %scan3A_317 : i32
        %mul3A_321 = arith.constant 16 : i32
        %mul3A_322 = arith.muli %add3A_320, %mul3A_321 : i32
        %get3A_323 = arith.index_cast %mul3A_322 : i32 to index
        %get3A_324 = tpu.vector_load %arg8[%get3A_323] {strides = array<i32>} : memref<1568xf32, #tpu.memory_space<vmem>>, vector<16xf32>,
        %gt3A_325 = arith.cmpf ogt, %get3A_324, %select_n3A_314 : vector<16xf32>
        %select_n3A_326 = arith.select %gt3A_325, %get3A_324, %select_n3A_314 : vector<16xi1>, vector<16xf32>
        %broadcast_in_dim3A_327 = vector.broadcast %add3A_320 : i32 to vector<16xi32>
        %select_n3A_328 = arith.select %gt3A_325, %broadcast_in_dim3A_327, %select_n3A_316 : vector<16xi1>, vector<16xi32>
        %scan3A_329 = arith.constant 8 : i32
        %mul3A_330 = arith.constant 14 : i32
        %mul3A_331 = arith.muli %reduce_min3A_230, %mul3A_330 : i32
        %add3A_332 = arith.addi %mul3A_331, %scan3A_329 : i32
        %mul3A_333 = arith.constant 16 : i32
        %mul3A_334 = arith.muli %add3A_332, %mul3A_333 : i32
        %get3A_335 = arith.index_cast %mul3A_334 : i32 to index
        %get3A_336 = tpu.vector_load %arg8[%get3A_335] {strides = array<i32>} : memref<1568xf32, #tpu.memory_space<vmem>>, vector<16xf32>,
        %gt3A_337 = arith.cmpf ogt, %get3A_336, %select_n3A_326 : vector<16xf32>
        %select_n3A_338 = arith.select %gt3A_337, %get3A_336, %select_n3A_326 : vector<16xi1>, vector<16xf32>
        %broadcast_in_dim3A_339 = vector.broadcast %add3A_332 : i32 to vector<16xi32>
        %select_n3A_340 = arith.select %gt3A_337, %broadcast_in_dim3A_339, %select_n3A_328 : vector<16xi1>, vector<16xi32>
        %scan3A_341 = arith.constant 9 : i32
        %mul3A_342 = arith.constant 14 : i32
        %mul3A_343 = arith.muli %reduce_min3A_230, %mul3A_342 : i32
        %add3A_344 = arith.addi %mul3A_343, %scan3A_341 : i32
        %mul3A_345 = arith.constant 16 : i32
        %mul3A_346 = arith.muli %add3A_344, %mul3A_345 : i32
        %get3A_347 = arith.index_cast %mul3A_346 : i32 to index
        %get3A_348 = tpu.vector_load %arg8[%get3A_347] {strides = array<i32>} : memref<1568xf32, #tpu.memory_space<vmem>>, vector<16xf32>,
        %gt3A_349 = arith.cmpf ogt, %get3A_348, %select_n3A_338 : vector<16xf32>
        %select_n3A_350 = arith.select %gt3A_349, %get3A_348, %select_n3A_338 : vector<16xi1>, vector<16xf32>
        %broadcast_in_dim3A_351 = vector.broadcast %add3A_344 : i32 to vector<16xi32>
        %select_n3A_352 = arith.select %gt3A_349, %broadcast_in_dim3A_351, %select_n3A_340 : vector<16xi1>, vector<16xi32>
        %scan3A_353 = arith.constant 10 : i32
        %mul3A_354 = arith.constant 14 : i32
        %mul3A_355 = arith.muli %reduce_min3A_230, %mul3A_354 : i32
        %add3A_356 = arith.addi %mul3A_355, %scan3A_353 : i32
        %mul3A_357 = arith.constant 16 : i32
        %mul3A_358 = arith.muli %add3A_356, %mul3A_357 : i32
        %get3A_359 = arith.index_cast %mul3A_358 : i32 to index
        %get3A_360 = tpu.vector_load %arg8[%get3A_359] {strides = array<i32>} : memref<1568xf32, #tpu.memory_space<vmem>>, vector<16xf32>,
        %gt3A_361 = arith.cmpf ogt, %get3A_360, %select_n3A_350 : vector<16xf32>
        %select_n3A_362 = arith.select %gt3A_361, %get3A_360, %select_n3A_350 : vector<16xi1>, vector<16xf32>
        %broadcast_in_dim3A_363 = vector.broadcast %add3A_356 : i32 to vector<16xi32>
        %select_n3A_364 = arith.select %gt3A_361, %broadcast_in_dim3A_363, %select_n3A_352 : vector<16xi1>, vector<16xi32>
        %scan3A_365 = arith.constant 11 : i32
        %mul3A_366 = arith.constant 14 : i32
        %mul3A_367 = arith.muli %reduce_min3A_230, %mul3A_366 : i32
        %add3A_368 = arith.addi %mul3A_367, %scan3A_365 : i32
        %mul3A_369 = arith.constant 16 : i32
        %mul3A_370 = arith.muli %add3A_368, %mul3A_369 : i32
        %get3A_371 = arith.index_cast %mul3A_370 : i32 to index
        %get3A_372 = tpu.vector_load %arg8[%get3A_371] {strides = array<i32>} : memref<1568xf32, #tpu.memory_space<vmem>>, vector<16xf32>,
        %gt3A_373 = arith.cmpf ogt, %get3A_372, %select_n3A_362 : vector<16xf32>
        %select_n3A_374 = arith.select %gt3A_373, %get3A_372, %select_n3A_362 : vector<16xi1>, vector<16xf32>
        %broadcast_in_dim3A_375 = vector.broadcast %add3A_368 : i32 to vector<16xi32>
        %select_n3A_376 = arith.select %gt3A_373, %broadcast_in_dim3A_375, %select_n3A_364 : vector<16xi1>, vector<16xi32>
        %scan3A_377 = arith.constant 12 : i32
        %mul3A_378 = arith.constant 14 : i32
        %mul3A_379 = arith.muli %reduce_min3A_230, %mul3A_378 : i32
        %add3A_380 = arith.addi %mul3A_379, %scan3A_377 : i32
        %mul3A_381 = arith.constant 16 : i32
        %mul3A_382 = arith.muli %add3A_380, %mul3A_381 : i32
        %get3A_383 = arith.index_cast %mul3A_382 : i32 to index
        %get3A_384 = tpu.vector_load %arg8[%get3A_383] {strides = array<i32>} : memref<1568xf32, #tpu.memory_space<vmem>>, vector<16xf32>,
        %gt3A_385 = arith.cmpf ogt, %get3A_384, %select_n3A_374 : vector<16xf32>
        %select_n3A_386 = arith.select %gt3A_385, %get3A_384, %select_n3A_374 : vector<16xi1>, vector<16xf32>
        %broadcast_in_dim3A_387 = vector.broadcast %add3A_380 : i32 to vector<16xi32>
        %select_n3A_388 = arith.select %gt3A_385, %broadcast_in_dim3A_387, %select_n3A_376 : vector<16xi1>, vector<16xi32>
        %scan3A_389 = arith.constant 13 : i32
        %mul3A_390 = arith.constant 14 : i32
        %mul3A_391 = arith.muli %reduce_min3A_230, %mul3A_390 : i32
        %add3A_392 = arith.addi %mul3A_391, %scan3A_389 : i32
        %mul3A_393 = arith.constant 16 : i32
        %mul3A_394 = arith.muli %add3A_392, %mul3A_393 : i32
        %get3A_395 = arith.index_cast %mul3A_394 : i32 to index
        %get3A_396 = tpu.vector_load %arg8[%get3A_395] {strides = array<i32>} : memref<1568xf32, #tpu.memory_space<vmem>>, vector<16xf32>,
        %gt3A_397 = arith.cmpf ogt, %get3A_396, %select_n3A_386 : vector<16xf32>
        %select_n3A_398 = arith.select %gt3A_397, %get3A_396, %select_n3A_386 : vector<16xi1>, vector<16xf32>
        %broadcast_in_dim3A_399 = vector.broadcast %add3A_392 : i32 to vector<16xi32>
        %select_n3A_400 = arith.select %gt3A_397, %broadcast_in_dim3A_399, %select_n3A_388 : vector<16xi1>, vector<16xi32>
        %scan3A_401 = arith.constant 14 : i32
        %eq3A_402 = vector.broadcast %reduce_max3A_219 : f32 to vector<16xf32>
        %eq3A_403 = arith.cmpf oeq, %select_n3A_398, %eq3A_402 : vector<16xf32>
        %jit3A_404 = arith.constant 1073741824 : i32
        %broadcast_in_dim3A_405 = vector.broadcast %jit3A_404 : i32 to vector<16xi32>
        %select_n3A_406 = arith.select %eq3A_403, %select_n3A_400, %broadcast_in_dim3A_405 : vector<16xi1>, vector<16xi32>
        %reduce_min3A_407 = arith.constant true
        %reduce_min3A_408 = vector.broadcast %reduce_min3A_407 : i1 to vector<16xi1>
        %reduce_min3A_409 = arith.constant -2147483648 : i32
        %reduce_min3A_410 = vector.broadcast %reduce_min3A_409 : i32 to vector<16xi32>
        %reduce_min3A_411 = arith.xori %select_n3A_406, %reduce_min3A_410 : vector<16xi32>
        %reduce_min3A_412 = tpu.scan <min>, %reduce_min3A_411 masked %reduce_min3A_408 : vector<16xi32>, vector<16xi1> -> vector<16xi32>
        %reduce_min3A_413 = arith.xori %reduce_min3A_412, %reduce_min3A_410 : vector<16xi32>
        %reduce_min3A_414 = vector.extract %reduce_min3A_413[15] : i32 from vector<16xi32>
        %eq3A_415 = vector.broadcast %reduce_min3A_414 : i32 to vector<16xi32>
        %eq3A_416 = arith.cmpi eq, %select_n3A_400, %eq3A_415 : vector<16xi32>
        %and3A_417 = arith.andi %eq3A_403, %eq3A_416 : vector<16xi1>
        %mul3A_418 = arith.constant 64 : i32
        %mul3A_419 = arith.muli %reduce_min3A_414, %mul3A_418 : i32
        %mul3A_420 = arith.constant 16 : i32
        %mul3A_421 = arith.muli %mul3A_419, %mul3A_420 : i32
        %broadcast_in_dim3A_422 = arith.constant 1073741824 : i32
        %broadcast_in_dim3A_423 = vector.broadcast %broadcast_in_dim3A_422 : i32 to vector<16xi32>
        %scan3A_424 = arith.constant 0 : i32
        %scan3A_425 = arith.constant 64 : i32
        %scan3A_426 = arith.addi %scan3A_424, %scan3A_425 : i32
        %scan3A_427 = arith.constant 8 : i32
        %scan3A_428 = scf.for %scan3A_590 = %scan3A_424 to %scan3A_426 step %scan3A_427 iter_args(%scan3A_591 = %broadcast_in_dim3A_423) -> (vector<16xi32>)  : i32 {
          %mul3A_592 = arith.constant 16 : i32
          %mul3A_593 = arith.muli %scan3A_590, %mul3A_592 : i32
          %add3A_594 = arith.addi %mul3A_421, %mul3A_593 : i32
          %add3A_595 = arith.constant 0 : i32
          %add3A_596 = arith.addi %add3A_595, %add3A_594 : i32
          %get3A_597 = arith.index_cast %add3A_596 : i32 to index
          %get3A_598 = tpu.vector_load %arg7[%get3A_597] {strides = array<i32>} : memref<100352xf32, #tpu.memory_space<vmem>>, vector<16xf32>,
          %eq3A_599 = vector.broadcast %reduce_max3A_219 : f32 to vector<16xf32>
          %eq3A_600 = arith.cmpf oeq, %get3A_598, %eq3A_599 : vector<16xf32>
          %and3A_601 = arith.andi %eq3A_600, %and3A_417 : vector<16xi1>
          %add3A_602 = vector.broadcast %add3A_594 : i32 to vector<16xi32>
          %add3A_603 = arith.addi %iota3A, %add3A_602 : vector<16xi32>
          %jit3A_604 = arith.constant 1073741824 : i32
          %broadcast_in_dim3A_605 = vector.broadcast %jit3A_604 : i32 to vector<16xi32>
          %select_n3A_606 = arith.select %and3A_601, %add3A_603, %broadcast_in_dim3A_605 : vector<16xi1>, vector<16xi32>
          %min3A = arith.minsi %scan3A_591, %select_n3A_606 : vector<16xi32>
          %scan3A_607 = arith.constant 1 : i32
          %scan3A_608 = arith.addi %scan3A_590, %scan3A_607 : i32
          %mul3A_609 = arith.constant 16 : i32
          %mul3A_610 = arith.muli %scan3A_608, %mul3A_609 : i32
          %add3A_611 = arith.addi %mul3A_421, %mul3A_610 : i32
          %add3A_612 = arith.constant 0 : i32
          %add3A_613 = arith.addi %add3A_612, %add3A_611 : i32
          %get3A_614 = arith.index_cast %add3A_613 : i32 to index
          %get3A_615 = tpu.vector_load %arg7[%get3A_614] {strides = array<i32>} : memref<100352xf32, #tpu.memory_space<vmem>>, vector<16xf32>,
          %eq3A_616 = vector.broadcast %reduce_max3A_219 : f32 to vector<16xf32>
          %eq3A_617 = arith.cmpf oeq, %get3A_615, %eq3A_616 : vector<16xf32>
          %and3A_618 = arith.andi %eq3A_617, %and3A_417 : vector<16xi1>
          %add3A_619 = vector.broadcast %add3A_611 : i32 to vector<16xi32>
          %add3A_620 = arith.addi %iota3A, %add3A_619 : vector<16xi32>
          %jit3A_621 = arith.constant 1073741824 : i32
          %broadcast_in_dim3A_622 = vector.broadcast %jit3A_621 : i32 to vector<16xi32>
          %select_n3A_623 = arith.select %and3A_618, %add3A_620, %broadcast_in_dim3A_622 : vector<16xi1>, vector<16xi32>
          %min3A_624 = arith.minsi %min3A, %select_n3A_623 : vector<16xi32>
          %scan3A_625 = arith.constant 2 : i32
          %scan3A_626 = arith.addi %scan3A_590, %scan3A_625 : i32
          %mul3A_627 = arith.constant 16 : i32
          %mul3A_628 = arith.muli %scan3A_626, %mul3A_627 : i32
          %add3A_629 = arith.addi %mul3A_421, %mul3A_628 : i32
          %add3A_630 = arith.constant 0 : i32
          %add3A_631 = arith.addi %add3A_630, %add3A_629 : i32
          %get3A_632 = arith.index_cast %add3A_631 : i32 to index
          %get3A_633 = tpu.vector_load %arg7[%get3A_632] {strides = array<i32>} : memref<100352xf32, #tpu.memory_space<vmem>>, vector<16xf32>,
          %eq3A_634 = vector.broadcast %reduce_max3A_219 : f32 to vector<16xf32>
          %eq3A_635 = arith.cmpf oeq, %get3A_633, %eq3A_634 : vector<16xf32>
          %and3A_636 = arith.andi %eq3A_635, %and3A_417 : vector<16xi1>
          %add3A_637 = vector.broadcast %add3A_629 : i32 to vector<16xi32>
          %add3A_638 = arith.addi %iota3A, %add3A_637 : vector<16xi32>
          %jit3A_639 = arith.constant 1073741824 : i32
          %broadcast_in_dim3A_640 = vector.broadcast %jit3A_639 : i32 to vector<16xi32>
          %select_n3A_641 = arith.select %and3A_636, %add3A_638, %broadcast_in_dim3A_640 : vector<16xi1>, vector<16xi32>
          %min3A_642 = arith.minsi %min3A_624, %select_n3A_641 : vector<16xi32>
          %scan3A_643 = arith.constant 3 : i32
          %scan3A_644 = arith.addi %scan3A_590, %scan3A_643 : i32
          %mul3A_645 = arith.constant 16 : i32
          %mul3A_646 = arith.muli %scan3A_644, %mul3A_645 : i32
          %add3A_647 = arith.addi %mul3A_421, %mul3A_646 : i32
          %add3A_648 = arith.constant 0 : i32
          %add3A_649 = arith.addi %add3A_648, %add3A_647 : i32
          %get3A_650 = arith.index_cast %add3A_649 : i32 to index
          %get3A_651 = tpu.vector_load %arg7[%get3A_650] {strides = array<i32>} : memref<100352xf32, #tpu.memory_space<vmem>>, vector<16xf32>,
          %eq3A_652 = vector.broadcast %reduce_max3A_219 : f32 to vector<16xf32>
          %eq3A_653 = arith.cmpf oeq, %get3A_651, %eq3A_652 : vector<16xf32>
          %and3A_654 = arith.andi %eq3A_653, %and3A_417 : vector<16xi1>
          %add3A_655 = vector.broadcast %add3A_647 : i32 to vector<16xi32>
          %add3A_656 = arith.addi %iota3A, %add3A_655 : vector<16xi32>
          %jit3A_657 = arith.constant 1073741824 : i32
          %broadcast_in_dim3A_658 = vector.broadcast %jit3A_657 : i32 to vector<16xi32>
          %select_n3A_659 = arith.select %and3A_654, %add3A_656, %broadcast_in_dim3A_658 : vector<16xi1>, vector<16xi32>
          %min3A_660 = arith.minsi %min3A_642, %select_n3A_659 : vector<16xi32>
          %scan3A_661 = arith.constant 4 : i32
          %scan3A_662 = arith.addi %scan3A_590, %scan3A_661 : i32
          %mul3A_663 = arith.constant 16 : i32
          %mul3A_664 = arith.muli %scan3A_662, %mul3A_663 : i32
          %add3A_665 = arith.addi %mul3A_421, %mul3A_664 : i32
          %add3A_666 = arith.constant 0 : i32
          %add3A_667 = arith.addi %add3A_666, %add3A_665 : i32
          %get3A_668 = arith.index_cast %add3A_667 : i32 to index
          %get3A_669 = tpu.vector_load %arg7[%get3A_668] {strides = array<i32>} : memref<100352xf32, #tpu.memory_space<vmem>>, vector<16xf32>,
          %eq3A_670 = vector.broadcast %reduce_max3A_219 : f32 to vector<16xf32>
          %eq3A_671 = arith.cmpf oeq, %get3A_669, %eq3A_670 : vector<16xf32>
          %and3A_672 = arith.andi %eq3A_671, %and3A_417 : vector<16xi1>
          %add3A_673 = vector.broadcast %add3A_665 : i32 to vector<16xi32>
          %add3A_674 = arith.addi %iota3A, %add3A_673 : vector<16xi32>
          %jit3A_675 = arith.constant 1073741824 : i32
          %broadcast_in_dim3A_676 = vector.broadcast %jit3A_675 : i32 to vector<16xi32>
          %select_n3A_677 = arith.select %and3A_672, %add3A_674, %broadcast_in_dim3A_676 : vector<16xi1>, vector<16xi32>
          %min3A_678 = arith.minsi %min3A_660, %select_n3A_677 : vector<16xi32>
          %scan3A_679 = arith.constant 5 : i32
          %scan3A_680 = arith.addi %scan3A_590, %scan3A_679 : i32
          %mul3A_681 = arith.constant 16 : i32
          %mul3A_682 = arith.muli %scan3A_680, %mul3A_681 : i32
          %add3A_683 = arith.addi %mul3A_421, %mul3A_682 : i32
          %add3A_684 = arith.constant 0 : i32
          %add3A_685 = arith.addi %add3A_684, %add3A_683 : i32
          %get3A_686 = arith.index_cast %add3A_685 : i32 to index
          %get3A_687 = tpu.vector_load %arg7[%get3A_686] {strides = array<i32>} : memref<100352xf32, #tpu.memory_space<vmem>>, vector<16xf32>,
          %eq3A_688 = vector.broadcast %reduce_max3A_219 : f32 to vector<16xf32>
          %eq3A_689 = arith.cmpf oeq, %get3A_687, %eq3A_688 : vector<16xf32>
          %and3A_690 = arith.andi %eq3A_689, %and3A_417 : vector<16xi1>
          %add3A_691 = vector.broadcast %add3A_683 : i32 to vector<16xi32>
          %add3A_692 = arith.addi %iota3A, %add3A_691 : vector<16xi32>
          %jit3A_693 = arith.constant 1073741824 : i32
          %broadcast_in_dim3A_694 = vector.broadcast %jit3A_693 : i32 to vector<16xi32>
          %select_n3A_695 = arith.select %and3A_690, %add3A_692, %broadcast_in_dim3A_694 : vector<16xi1>, vector<16xi32>
          %min3A_696 = arith.minsi %min3A_678, %select_n3A_695 : vector<16xi32>
          %scan3A_697 = arith.constant 6 : i32
          %scan3A_698 = arith.addi %scan3A_590, %scan3A_697 : i32
          %mul3A_699 = arith.constant 16 : i32
          %mul3A_700 = arith.muli %scan3A_698, %mul3A_699 : i32
          %add3A_701 = arith.addi %mul3A_421, %mul3A_700 : i32
          %add3A_702 = arith.constant 0 : i32
          %add3A_703 = arith.addi %add3A_702, %add3A_701 : i32
          %get3A_704 = arith.index_cast %add3A_703 : i32 to index
          %get3A_705 = tpu.vector_load %arg7[%get3A_704] {strides = array<i32>} : memref<100352xf32, #tpu.memory_space<vmem>>, vector<16xf32>,
          %eq3A_706 = vector.broadcast %reduce_max3A_219 : f32 to vector<16xf32>
          %eq3A_707 = arith.cmpf oeq, %get3A_705, %eq3A_706 : vector<16xf32>
          %and3A_708 = arith.andi %eq3A_707, %and3A_417 : vector<16xi1>
          %add3A_709 = vector.broadcast %add3A_701 : i32 to vector<16xi32>
          %add3A_710 = arith.addi %iota3A, %add3A_709 : vector<16xi32>
          %jit3A_711 = arith.constant 1073741824 : i32
          %broadcast_in_dim3A_712 = vector.broadcast %jit3A_711 : i32 to vector<16xi32>
          %select_n3A_713 = arith.select %and3A_708, %add3A_710, %broadcast_in_dim3A_712 : vector<16xi1>, vector<16xi32>
          %min3A_714 = arith.minsi %min3A_696, %select_n3A_713 : vector<16xi32>
          %scan3A_715 = arith.constant 7 : i32
          %scan3A_716 = arith.addi %scan3A_590, %scan3A_715 : i32
          %mul3A_717 = arith.constant 16 : i32
          %mul3A_718 = arith.muli %scan3A_716, %mul3A_717 : i32
          %add3A_719 = arith.addi %mul3A_421, %mul3A_718 : i32
          %add3A_720 = arith.constant 0 : i32
          %add3A_721 = arith.addi %add3A_720, %add3A_719 : i32
          %get3A_722 = arith.index_cast %add3A_721 : i32 to index
          %get3A_723 = tpu.vector_load %arg7[%get3A_722] {strides = array<i32>} : memref<100352xf32, #tpu.memory_space<vmem>>, vector<16xf32>,
          %eq3A_724 = vector.broadcast %reduce_max3A_219 : f32 to vector<16xf32>
          %eq3A_725 = arith.cmpf oeq, %get3A_723, %eq3A_724 : vector<16xf32>
          %and3A_726 = arith.andi %eq3A_725, %and3A_417 : vector<16xi1>
          %add3A_727 = vector.broadcast %add3A_719 : i32 to vector<16xi32>
          %add3A_728 = arith.addi %iota3A, %add3A_727 : vector<16xi32>
          %jit3A_729 = arith.constant 1073741824 : i32
          %broadcast_in_dim3A_730 = vector.broadcast %jit3A_729 : i32 to vector<16xi32>
          %select_n3A_731 = arith.select %and3A_726, %add3A_728, %broadcast_in_dim3A_730 : vector<16xi1>, vector<16xi32>
          %min3A_732 = arith.minsi %min3A_714, %select_n3A_731 : vector<16xi32>
          scf.yield %min3A_732 : vector<16xi32>
        }
        %scan3A_429 = arith.constant 64 : i32
        %reduce_min3A_430 = arith.constant true
        %reduce_min3A_431 = vector.broadcast %reduce_min3A_430 : i1 to vector<16xi1>
        %reduce_min3A_432 = arith.constant -2147483648 : i32
        %reduce_min3A_433 = vector.broadcast %reduce_min3A_432 : i32 to vector<16xi32>
        %reduce_min3A_434 = arith.xori %scan3A_428, %reduce_min3A_433 : vector<16xi32>
        %reduce_min3A_435 = tpu.scan <min>, %reduce_min3A_434 masked %reduce_min3A_431 : vector<16xi32>, vector<16xi1> -> vector<16xi32>
        %reduce_min3A_436 = arith.xori %reduce_min3A_435, %reduce_min3A_433 : vector<16xi32>
        %reduce_min3A_437 = vector.extract %reduce_min3A_436[15] : i32 from vector<16xi32>
        %add3A_438 = arith.constant 0 : i32
        %add3A_439 = arith.addi %add3A_438, %reduce_min3A_437 : i32
        %broadcast_in_dim3A_440 = vector.broadcast %add3A_439 : i32 to vector<16xi32>
        %eq3A_441 = arith.constant 0 : i32
        %eq3A_442 = vector.broadcast %eq3A_441 : i32 to vector<16xi32>
        %eq3A_443 = arith.cmpi eq, %iota3A, %eq3A_442 : vector<16xi32>
        tpu.vector_store_idx %arg7[%broadcast_in_dim3A_440], %broadcast_in_dim3A_122 masked %eq3A_443 : memref<100352xf32, #tpu.memory_space<vmem>>[vector<16xi32>], vector<16xf32>, vector<16xi1>
        %scan3A_444 = arith.constant 0 : i32
        %scan3A_445 = arith.constant 64 : i32
        %scan3A_446 = arith.addi %scan3A_444, %scan3A_445 : i32
        %scan3A_447 = arith.constant 16 : i32
        %scan3A_448 = scf.for %scan3A_590 = %scan3A_444 to %scan3A_446 step %scan3A_447 iter_args(%scan3A_591 = %broadcast_in_dim3A_122) -> (vector<16xf32>)  : i32 {
          %add3A_592 = arith.constant 0 : i32
          %add3A_593 = arith.addi %add3A_592, %mul3A_421 : i32
          %mul3A_594 = arith.constant 16 : i32
          %mul3A_595 = arith.muli %scan3A_590, %mul3A_594 : i32
          %add3A_596 = arith.addi %add3A_593, %mul3A_595 : i32
          %get3A_597 = arith.index_cast %add3A_596 : i32 to index
          %get3A_598 = tpu.vector_load %arg7[%get3A_597] {strides = array<i32>} : memref<100352xf32, #tpu.memory_space<vmem>>, vector<16xf32>,
          %max3A_599 = arith.maximumf %scan3A_591, %get3A_598 : vector<16xf32>
          %scan3A_600 = arith.constant 1 : i32
          %scan3A_601 = arith.addi %scan3A_590, %scan3A_600 : i32
          %add3A_602 = arith.constant 0 : i32
          %add3A_603 = arith.addi %add3A_602, %mul3A_421 : i32
          %mul3A_604 = arith.constant 16 : i32
          %mul3A_605 = arith.muli %scan3A_601, %mul3A_604 : i32
          %add3A_606 = arith.addi %add3A_603, %mul3A_605 : i32
          %get3A_607 = arith.index_cast %add3A_606 : i32 to index
          %get3A_608 = tpu.vector_load %arg7[%get3A_607] {strides = array<i32>} : memref<100352xf32, #tpu.memory_space<vmem>>, vector<16xf32>,
          %max3A_609 = arith.maximumf %max3A_599, %get3A_608 : vector<16xf32>
          %scan3A_610 = arith.constant 2 : i32
          %scan3A_611 = arith.addi %scan3A_590, %scan3A_610 : i32
          %add3A_612 = arith.constant 0 : i32
          %add3A_613 = arith.addi %add3A_612, %mul3A_421 : i32
          %mul3A_614 = arith.constant 16 : i32
          %mul3A_615 = arith.muli %scan3A_611, %mul3A_614 : i32
          %add3A_616 = arith.addi %add3A_613, %mul3A_615 : i32
          %get3A_617 = arith.index_cast %add3A_616 : i32 to index
          %get3A_618 = tpu.vector_load %arg7[%get3A_617] {strides = array<i32>} : memref<100352xf32, #tpu.memory_space<vmem>>, vector<16xf32>,
          %max3A_619 = arith.maximumf %max3A_609, %get3A_618 : vector<16xf32>
          %scan3A_620 = arith.constant 3 : i32
          %scan3A_621 = arith.addi %scan3A_590, %scan3A_620 : i32
          %add3A_622 = arith.constant 0 : i32
          %add3A_623 = arith.addi %add3A_622, %mul3A_421 : i32
          %mul3A_624 = arith.constant 16 : i32
          %mul3A_625 = arith.muli %scan3A_621, %mul3A_624 : i32
          %add3A_626 = arith.addi %add3A_623, %mul3A_625 : i32
          %get3A_627 = arith.index_cast %add3A_626 : i32 to index
          %get3A_628 = tpu.vector_load %arg7[%get3A_627] {strides = array<i32>} : memref<100352xf32, #tpu.memory_space<vmem>>, vector<16xf32>,
          %max3A_629 = arith.maximumf %max3A_619, %get3A_628 : vector<16xf32>
          %scan3A_630 = arith.constant 4 : i32
          %scan3A_631 = arith.addi %scan3A_590, %scan3A_630 : i32
          %add3A_632 = arith.constant 0 : i32
          %add3A_633 = arith.addi %add3A_632, %mul3A_421 : i32
          %mul3A_634 = arith.constant 16 : i32
          %mul3A_635 = arith.muli %scan3A_631, %mul3A_634 : i32
          %add3A_636 = arith.addi %add3A_633, %mul3A_635 : i32
          %get3A_637 = arith.index_cast %add3A_636 : i32 to index
          %get3A_638 = tpu.vector_load %arg7[%get3A_637] {strides = array<i32>} : memref<100352xf32, #tpu.memory_space<vmem>>, vector<16xf32>,
          %max3A_639 = arith.maximumf %max3A_629, %get3A_638 : vector<16xf32>
          %scan3A_640 = arith.constant 5 : i32
          %scan3A_641 = arith.addi %scan3A_590, %scan3A_640 : i32
          %add3A_642 = arith.constant 0 : i32
          %add3A_643 = arith.addi %add3A_642, %mul3A_421 : i32
          %mul3A_644 = arith.constant 16 : i32
          %mul3A_645 = arith.muli %scan3A_641, %mul3A_644 : i32
          %add3A_646 = arith.addi %add3A_643, %mul3A_645 : i32
          %get3A_647 = arith.index_cast %add3A_646 : i32 to index
          %get3A_648 = tpu.vector_load %arg7[%get3A_647] {strides = array<i32>} : memref<100352xf32, #tpu.memory_space<vmem>>, vector<16xf32>,
          %max3A_649 = arith.maximumf %max3A_639, %get3A_648 : vector<16xf32>
          %scan3A_650 = arith.constant 6 : i32
          %scan3A_651 = arith.addi %scan3A_590, %scan3A_650 : i32
          %add3A_652 = arith.constant 0 : i32
          %add3A_653 = arith.addi %add3A_652, %mul3A_421 : i32
          %mul3A_654 = arith.constant 16 : i32
          %mul3A_655 = arith.muli %scan3A_651, %mul3A_654 : i32
          %add3A_656 = arith.addi %add3A_653, %mul3A_655 : i32
          %get3A_657 = arith.index_cast %add3A_656 : i32 to index
          %get3A_658 = tpu.vector_load %arg7[%get3A_657] {strides = array<i32>} : memref<100352xf32, #tpu.memory_space<vmem>>, vector<16xf32>,
          %max3A_659 = arith.maximumf %max3A_649, %get3A_658 : vector<16xf32>
          %scan3A_660 = arith.constant 7 : i32
          %scan3A_661 = arith.addi %scan3A_590, %scan3A_660 : i32
          %add3A_662 = arith.constant 0 : i32
          %add3A_663 = arith.addi %add3A_662, %mul3A_421 : i32
          %mul3A_664 = arith.constant 16 : i32
          %mul3A_665 = arith.muli %scan3A_661, %mul3A_664 : i32
          %add3A_666 = arith.addi %add3A_663, %mul3A_665 : i32
          %get3A_667 = arith.index_cast %add3A_666 : i32 to index
          %get3A_668 = tpu.vector_load %arg7[%get3A_667] {strides = array<i32>} : memref<100352xf32, #tpu.memory_space<vmem>>, vector<16xf32>,
          %max3A_669 = arith.maximumf %max3A_659, %get3A_668 : vector<16xf32>
          %scan3A_670 = arith.constant 8 : i32
          %scan3A_671 = arith.addi %scan3A_590, %scan3A_670 : i32
          %add3A_672 = arith.constant 0 : i32
          %add3A_673 = arith.addi %add3A_672, %mul3A_421 : i32
          %mul3A_674 = arith.constant 16 : i32
          %mul3A_675 = arith.muli %scan3A_671, %mul3A_674 : i32
          %add3A_676 = arith.addi %add3A_673, %mul3A_675 : i32
          %get3A_677 = arith.index_cast %add3A_676 : i32 to index
          %get3A_678 = tpu.vector_load %arg7[%get3A_677] {strides = array<i32>} : memref<100352xf32, #tpu.memory_space<vmem>>, vector<16xf32>,
          %max3A_679 = arith.maximumf %max3A_669, %get3A_678 : vector<16xf32>
          %scan3A_680 = arith.constant 9 : i32
          %scan3A_681 = arith.addi %scan3A_590, %scan3A_680 : i32
          %add3A_682 = arith.constant 0 : i32
          %add3A_683 = arith.addi %add3A_682, %mul3A_421 : i32
          %mul3A_684 = arith.constant 16 : i32
          %mul3A_685 = arith.muli %scan3A_681, %mul3A_684 : i32
          %add3A_686 = arith.addi %add3A_683, %mul3A_685 : i32
          %get3A_687 = arith.index_cast %add3A_686 : i32 to index
          %get3A_688 = tpu.vector_load %arg7[%get3A_687] {strides = array<i32>} : memref<100352xf32, #tpu.memory_space<vmem>>, vector<16xf32>,
          %max3A_689 = arith.maximumf %max3A_679, %get3A_688 : vector<16xf32>
          %scan3A_690 = arith.constant 10 : i32
          %scan3A_691 = arith.addi %scan3A_590, %scan3A_690 : i32
          %add3A_692 = arith.constant 0 : i32
          %add3A_693 = arith.addi %add3A_692, %mul3A_421 : i32
          %mul3A_694 = arith.constant 16 : i32
          %mul3A_695 = arith.muli %scan3A_691, %mul3A_694 : i32
          %add3A_696 = arith.addi %add3A_693, %mul3A_695 : i32
          %get3A_697 = arith.index_cast %add3A_696 : i32 to index
          %get3A_698 = tpu.vector_load %arg7[%get3A_697] {strides = array<i32>} : memref<100352xf32, #tpu.memory_space<vmem>>, vector<16xf32>,
          %max3A_699 = arith.maximumf %max3A_689, %get3A_698 : vector<16xf32>
          %scan3A_700 = arith.constant 11 : i32
          %scan3A_701 = arith.addi %scan3A_590, %scan3A_700 : i32
          %add3A_702 = arith.constant 0 : i32
          %add3A_703 = arith.addi %add3A_702, %mul3A_421 : i32
          %mul3A_704 = arith.constant 16 : i32
          %mul3A_705 = arith.muli %scan3A_701, %mul3A_704 : i32
          %add3A_706 = arith.addi %add3A_703, %mul3A_705 : i32
          %get3A_707 = arith.index_cast %add3A_706 : i32 to index
          %get3A_708 = tpu.vector_load %arg7[%get3A_707] {strides = array<i32>} : memref<100352xf32, #tpu.memory_space<vmem>>, vector<16xf32>,
          %max3A_709 = arith.maximumf %max3A_699, %get3A_708 : vector<16xf32>
          %scan3A_710 = arith.constant 12 : i32
          %scan3A_711 = arith.addi %scan3A_590, %scan3A_710 : i32
          %add3A_712 = arith.constant 0 : i32
          %add3A_713 = arith.addi %add3A_712, %mul3A_421 : i32
          %mul3A_714 = arith.constant 16 : i32
          %mul3A_715 = arith.muli %scan3A_711, %mul3A_714 : i32
          %add3A_716 = arith.addi %add3A_713, %mul3A_715 : i32
          %get3A_717 = arith.index_cast %add3A_716 : i32 to index
          %get3A_718 = tpu.vector_load %arg7[%get3A_717] {strides = array<i32>} : memref<100352xf32, #tpu.memory_space<vmem>>, vector<16xf32>,
          %max3A_719 = arith.maximumf %max3A_709, %get3A_718 : vector<16xf32>
          %scan3A_720 = arith.constant 13 : i32
          %scan3A_721 = arith.addi %scan3A_590, %scan3A_720 : i32
          %add3A_722 = arith.constant 0 : i32
          %add3A_723 = arith.addi %add3A_722, %mul3A_421 : i32
          %mul3A_724 = arith.constant 16 : i32
          %mul3A_725 = arith.muli %scan3A_721, %mul3A_724 : i32
          %add3A_726 = arith.addi %add3A_723, %mul3A_725 : i32
          %get3A_727 = arith.index_cast %add3A_726 : i32 to index
          %get3A_728 = tpu.vector_load %arg7[%get3A_727] {strides = array<i32>} : memref<100352xf32, #tpu.memory_space<vmem>>, vector<16xf32>,
          %max3A_729 = arith.maximumf %max3A_719, %get3A_728 : vector<16xf32>
          %scan3A_730 = arith.constant 14 : i32
          %scan3A_731 = arith.addi %scan3A_590, %scan3A_730 : i32
          %add3A_732 = arith.constant 0 : i32
          %add3A_733 = arith.addi %add3A_732, %mul3A_421 : i32
          %mul3A_734 = arith.constant 16 : i32
          %mul3A_735 = arith.muli %scan3A_731, %mul3A_734 : i32
          %add3A_736 = arith.addi %add3A_733, %mul3A_735 : i32
          %get3A_737 = arith.index_cast %add3A_736 : i32 to index
          %get3A_738 = tpu.vector_load %arg7[%get3A_737] {strides = array<i32>} : memref<100352xf32, #tpu.memory_space<vmem>>, vector<16xf32>,
          %max3A_739 = arith.maximumf %max3A_729, %get3A_738 : vector<16xf32>
          %scan3A_740 = arith.constant 15 : i32
          %scan3A_741 = arith.addi %scan3A_590, %scan3A_740 : i32
          %add3A_742 = arith.constant 0 : i32
          %add3A_743 = arith.addi %add3A_742, %mul3A_421 : i32
          %mul3A_744 = arith.constant 16 : i32
          %mul3A_745 = arith.muli %scan3A_741, %mul3A_744 : i32
          %add3A_746 = arith.addi %add3A_743, %mul3A_745 : i32
          %get3A_747 = arith.index_cast %add3A_746 : i32 to index
          %get3A_748 = tpu.vector_load %arg7[%get3A_747] {strides = array<i32>} : memref<100352xf32, #tpu.memory_space<vmem>>, vector<16xf32>,
          %max3A_749 = arith.maximumf %max3A_739, %get3A_748 : vector<16xf32>
          scf.yield %max3A_749 : vector<16xf32>
        }
        %scan3A_449 = arith.constant 64 : i32
        %mul3A_450 = arith.constant 16 : i32
        %mul3A_451 = arith.muli %reduce_min3A_414, %mul3A_450 : i32
        %swap3A_452 = arith.index_cast %mul3A_451 : i32 to index
        %swap3A_453 = tpu.vector_load %arg8[%swap3A_452] {strides = array<i32>} : memref<1568xf32, #tpu.memory_space<vmem>>, vector<16xf32>,
        tpu.vector_store %arg8[%swap3A_452], %scan3A_448 {strides = array<i32>} : memref<1568xf32, #tpu.memory_space<vmem>>, vector<16xf32>,
        %scan3A_454 = arith.constant 0 : i32
        %mul3A_455 = arith.constant 14 : i32
        %mul3A_456 = arith.muli %reduce_min3A_230, %mul3A_455 : i32
        %add3A_457 = arith.addi %mul3A_456, %scan3A_454 : i32
        %mul3A_458 = arith.constant 16 : i32
        %mul3A_459 = arith.muli %add3A_457, %mul3A_458 : i32
        %get3A_460 = arith.index_cast %mul3A_459 : i32 to index
        %get3A_461 = tpu.vector_load %arg8[%get3A_460] {strides = array<i32>} : memref<1568xf32, #tpu.memory_space<vmem>>, vector<16xf32>,
        %max3A = arith.maximumf %broadcast_in_dim3A_122, %get3A_461 : vector<16xf32>
        %scan3A_462 = arith.constant 1 : i32
        %mul3A_463 = arith.constant 14 : i32
        %mul3A_464 = arith.muli %reduce_min3A_230, %mul3A_463 : i32
        %add3A_465 = arith.addi %mul3A_464, %scan3A_462 : i32
        %mul3A_466 = arith.constant 16 : i32
        %mul3A_467 = arith.muli %add3A_465, %mul3A_466 : i32
        %get3A_468 = arith.index_cast %mul3A_467 : i32 to index
        %get3A_469 = tpu.vector_load %arg8[%get3A_468] {strides = array<i32>} : memref<1568xf32, #tpu.memory_space<vmem>>, vector<16xf32>,
        %max3A_470 = arith.maximumf %max3A, %get3A_469 : vector<16xf32>
        %scan3A_471 = arith.constant 2 : i32
        %mul3A_472 = arith.constant 14 : i32
        %mul3A_473 = arith.muli %reduce_min3A_230, %mul3A_472 : i32
        %add3A_474 = arith.addi %mul3A_473, %scan3A_471 : i32
        %mul3A_475 = arith.constant 16 : i32
        %mul3A_476 = arith.muli %add3A_474, %mul3A_475 : i32
        %get3A_477 = arith.index_cast %mul3A_476 : i32 to index
        %get3A_478 = tpu.vector_load %arg8[%get3A_477] {strides = array<i32>} : memref<1568xf32, #tpu.memory_space<vmem>>, vector<16xf32>,
        %max3A_479 = arith.maximumf %max3A_470, %get3A_478 : vector<16xf32>
        %scan3A_480 = arith.constant 3 : i32
        %mul3A_481 = arith.constant 14 : i32
        %mul3A_482 = arith.muli %reduce_min3A_230, %mul3A_481 : i32
        %add3A_483 = arith.addi %mul3A_482, %scan3A_480 : i32
        %mul3A_484 = arith.constant 16 : i32
        %mul3A_485 = arith.muli %add3A_483, %mul3A_484 : i32
        %get3A_486 = arith.index_cast %mul3A_485 : i32 to index
        %get3A_487 = tpu.vector_load %arg8[%get3A_486] {strides = array<i32>} : memref<1568xf32, #tpu.memory_space<vmem>>, vector<16xf32>,
        %max3A_488 = arith.maximumf %max3A_479, %get3A_487 : vector<16xf32>
        %scan3A_489 = arith.constant 4 : i32
        %mul3A_490 = arith.constant 14 : i32
        %mul3A_491 = arith.muli %reduce_min3A_230, %mul3A_490 : i32
        %add3A_492 = arith.addi %mul3A_491, %scan3A_489 : i32
        %mul3A_493 = arith.constant 16 : i32
        %mul3A_494 = arith.muli %add3A_492, %mul3A_493 : i32
        %get3A_495 = arith.index_cast %mul3A_494 : i32 to index
        %get3A_496 = tpu.vector_load %arg8[%get3A_495] {strides = array<i32>} : memref<1568xf32, #tpu.memory_space<vmem>>, vector<16xf32>,
        %max3A_497 = arith.maximumf %max3A_488, %get3A_496 : vector<16xf32>
        %scan3A_498 = arith.constant 5 : i32
        %mul3A_499 = arith.constant 14 : i32
        %mul3A_500 = arith.muli %reduce_min3A_230, %mul3A_499 : i32
        %add3A_501 = arith.addi %mul3A_500, %scan3A_498 : i32
        %mul3A_502 = arith.constant 16 : i32
        %mul3A_503 = arith.muli %add3A_501, %mul3A_502 : i32
        %get3A_504 = arith.index_cast %mul3A_503 : i32 to index
        %get3A_505 = tpu.vector_load %arg8[%get3A_504] {strides = array<i32>} : memref<1568xf32, #tpu.memory_space<vmem>>, vector<16xf32>,
        %max3A_506 = arith.maximumf %max3A_497, %get3A_505 : vector<16xf32>
        %scan3A_507 = arith.constant 6 : i32
        %mul3A_508 = arith.constant 14 : i32
        %mul3A_509 = arith.muli %reduce_min3A_230, %mul3A_508 : i32
        %add3A_510 = arith.addi %mul3A_509, %scan3A_507 : i32
        %mul3A_511 = arith.constant 16 : i32
        %mul3A_512 = arith.muli %add3A_510, %mul3A_511 : i32
        %get3A_513 = arith.index_cast %mul3A_512 : i32 to index
        %get3A_514 = tpu.vector_load %arg8[%get3A_513] {strides = array<i32>} : memref<1568xf32, #tpu.memory_space<vmem>>, vector<16xf32>,
        %max3A_515 = arith.maximumf %max3A_506, %get3A_514 : vector<16xf32>
        %scan3A_516 = arith.constant 7 : i32
        %mul3A_517 = arith.constant 14 : i32
        %mul3A_518 = arith.muli %reduce_min3A_230, %mul3A_517 : i32
        %add3A_519 = arith.addi %mul3A_518, %scan3A_516 : i32
        %mul3A_520 = arith.constant 16 : i32
        %mul3A_521 = arith.muli %add3A_519, %mul3A_520 : i32
        %get3A_522 = arith.index_cast %mul3A_521 : i32 to index
        %get3A_523 = tpu.vector_load %arg8[%get3A_522] {strides = array<i32>} : memref<1568xf32, #tpu.memory_space<vmem>>, vector<16xf32>,
        %max3A_524 = arith.maximumf %max3A_515, %get3A_523 : vector<16xf32>
        %scan3A_525 = arith.constant 8 : i32
        %mul3A_526 = arith.constant 14 : i32
        %mul3A_527 = arith.muli %reduce_min3A_230, %mul3A_526 : i32
        %add3A_528 = arith.addi %mul3A_527, %scan3A_525 : i32
        %mul3A_529 = arith.constant 16 : i32
        %mul3A_530 = arith.muli %add3A_528, %mul3A_529 : i32
        %get3A_531 = arith.index_cast %mul3A_530 : i32 to index
        %get3A_532 = tpu.vector_load %arg8[%get3A_531] {strides = array<i32>} : memref<1568xf32, #tpu.memory_space<vmem>>, vector<16xf32>,
        %max3A_533 = arith.maximumf %max3A_524, %get3A_532 : vector<16xf32>
        %scan3A_534 = arith.constant 9 : i32
        %mul3A_535 = arith.constant 14 : i32
        %mul3A_536 = arith.muli %reduce_min3A_230, %mul3A_535 : i32
        %add3A_537 = arith.addi %mul3A_536, %scan3A_534 : i32
        %mul3A_538 = arith.constant 16 : i32
        %mul3A_539 = arith.muli %add3A_537, %mul3A_538 : i32
        %get3A_540 = arith.index_cast %mul3A_539 : i32 to index
        %get3A_541 = tpu.vector_load %arg8[%get3A_540] {strides = array<i32>} : memref<1568xf32, #tpu.memory_space<vmem>>, vector<16xf32>,
        %max3A_542 = arith.maximumf %max3A_533, %get3A_541 : vector<16xf32>
        %scan3A_543 = arith.constant 10 : i32
        %mul3A_544 = arith.constant 14 : i32
        %mul3A_545 = arith.muli %reduce_min3A_230, %mul3A_544 : i32
        %add3A_546 = arith.addi %mul3A_545, %scan3A_543 : i32
        %mul3A_547 = arith.constant 16 : i32
        %mul3A_548 = arith.muli %add3A_546, %mul3A_547 : i32
        %get3A_549 = arith.index_cast %mul3A_548 : i32 to index
        %get3A_550 = tpu.vector_load %arg8[%get3A_549] {strides = array<i32>} : memref<1568xf32, #tpu.memory_space<vmem>>, vector<16xf32>,
        %max3A_551 = arith.maximumf %max3A_542, %get3A_550 : vector<16xf32>
        %scan3A_552 = arith.constant 11 : i32
        %mul3A_553 = arith.constant 14 : i32
        %mul3A_554 = arith.muli %reduce_min3A_230, %mul3A_553 : i32
        %add3A_555 = arith.addi %mul3A_554, %scan3A_552 : i32
        %mul3A_556 = arith.constant 16 : i32
        %mul3A_557 = arith.muli %add3A_555, %mul3A_556 : i32
        %get3A_558 = arith.index_cast %mul3A_557 : i32 to index
        %get3A_559 = tpu.vector_load %arg8[%get3A_558] {strides = array<i32>} : memref<1568xf32, #tpu.memory_space<vmem>>, vector<16xf32>,
        %max3A_560 = arith.maximumf %max3A_551, %get3A_559 : vector<16xf32>
        %scan3A_561 = arith.constant 12 : i32
        %mul3A_562 = arith.constant 14 : i32
        %mul3A_563 = arith.muli %reduce_min3A_230, %mul3A_562 : i32
        %add3A_564 = arith.addi %mul3A_563, %scan3A_561 : i32
        %mul3A_565 = arith.constant 16 : i32
        %mul3A_566 = arith.muli %add3A_564, %mul3A_565 : i32
        %get3A_567 = arith.index_cast %mul3A_566 : i32 to index
        %get3A_568 = tpu.vector_load %arg8[%get3A_567] {strides = array<i32>} : memref<1568xf32, #tpu.memory_space<vmem>>, vector<16xf32>,
        %max3A_569 = arith.maximumf %max3A_560, %get3A_568 : vector<16xf32>
        %scan3A_570 = arith.constant 13 : i32
        %mul3A_571 = arith.constant 14 : i32
        %mul3A_572 = arith.muli %reduce_min3A_230, %mul3A_571 : i32
        %add3A_573 = arith.addi %mul3A_572, %scan3A_570 : i32
        %mul3A_574 = arith.constant 16 : i32
        %mul3A_575 = arith.muli %add3A_573, %mul3A_574 : i32
        %get3A_576 = arith.index_cast %mul3A_575 : i32 to index
        %get3A_577 = tpu.vector_load %arg8[%get3A_576] {strides = array<i32>} : memref<1568xf32, #tpu.memory_space<vmem>>, vector<16xf32>,
        %max3A_578 = arith.maximumf %max3A_569, %get3A_577 : vector<16xf32>
        %scan3A_579 = arith.constant 14 : i32
        %mul3A_580 = arith.constant 16 : i32
        %mul3A_581 = arith.muli %reduce_min3A_230, %mul3A_580 : i32
        %swap3A_582 = arith.index_cast %mul3A_581 : i32 to index
        %swap3A_583 = tpu.vector_load %arg9[%swap3A_582] {strides = array<i32>} : memref<112xf32, #tpu.memory_space<vmem>>, vector<16xf32>,
        tpu.vector_store %arg9[%swap3A_582], %max3A_578 {strides = array<i32>} : memref<112xf32, #tpu.memory_space<vmem>>, vector<16xf32>,
        %eq3A_584 = vector.broadcast %scan3A_149 : i32 to vector<16xi32>
        %eq3A_585 = arith.cmpi eq, %iota3A, %eq3A_584 : vector<16xi32>
        %broadcast_in_dim3A_586 = vector.broadcast %reduce_max3A_219 : f32 to vector<16xf32>
        %select_n3A_587 = arith.select %eq3A_585, %broadcast_in_dim3A_586, %scan3A_150 : vector<16xi1>, vector<16xf32>
        %broadcast_in_dim3A_588 = vector.broadcast %reduce_min3A_437 : i32 to vector<16xi32>
        %select_n3A_589 = arith.select %eq3A_585, %broadcast_in_dim3A_588, %scan3A_151 : vector<16xi1>, vector<16xi32>
        scf.yield %select_n3A_587, %select_n3A_589 : vector<16xf32>, vector<16xi32>
      }
      %scan3A_137 = arith.constant 16 : i32
      %add3A_138 = arith.addf %scan3A_136#0, %get3A_120 : vector<16xf32>
      %sub3A_139 = arith.subf %add3A_138, %mul3A_6 : vector<16xf32>
      %mul3A_140 = arith.constant 16 : i32
      %mul3A_141 = arith.muli %scan3A_59, %mul3A_140 : i32
      %swap3A_142 = arith.index_cast %mul3A_141 : i32 to index
      %swap3A_143 = tpu.vector_load %arg10[%swap3A_142] {strides = array<i32>} : memref<128xf32, #tpu.memory_space<vmem>>, vector<16xf32>,
      tpu.vector_store %arg10[%swap3A_142], %sub3A_139 {strides = array<i32>} : memref<128xf32, #tpu.memory_space<vmem>>, vector<16xf32>,
      %mul3A_144 = arith.constant 16 : i32
      %mul3A_145 = arith.muli %scan3A_59, %mul3A_144 : i32
      %swap3A_146 = arith.index_cast %mul3A_145 : i32 to index
      %swap3A_147 = tpu.vector_load %arg11[%swap3A_146] {strides = array<i32>} : memref<128xi32, #tpu.memory_space<vmem>>, vector<16xi32>,
      tpu.vector_store %arg11[%swap3A_146], %scan3A_136#1 {strides = array<i32>} : memref<128xi32, #tpu.memory_space<vmem>>, vector<16xi32>,
      %scan3A_148 = arith.constant 0 : i32
      scf.yield %scan3A_148 : i32
    }
    %scan3A_20 = arith.constant 8 : i32
    %broadcast_in_dim3A_21 = arith.constant 0xFF800000 : f32
    %broadcast_in_dim3A_22 = vector.broadcast %broadcast_in_dim3A_21 : f32 to vector<16xf32>
    %broadcast_in_dim3A_23 = arith.constant 0 : i32
    %broadcast_in_dim3A_24 = vector.broadcast %broadcast_in_dim3A_23 : i32 to vector<16xi32>
    %scan3A_25 = arith.constant 0 : i32
    %scan3A_26 = arith.constant 16 : i32
    %scan3A_27 = arith.addi %scan3A_25, %scan3A_26 : i32
    %scan3A_28 = arith.constant 1 : i32
    %scan3A_29:2 = scf.for %scan3A_59 = %scan3A_25 to %scan3A_27 step %scan3A_28 iter_args(%scan3A_60 = %broadcast_in_dim3A_22, %scan3A_61 = %broadcast_in_dim3A_24) -> (vector<16xf32>, vector<16xi32>)  : i32 {
      %broadcast_in_dim3A_62 = arith.constant 0xFF800000 : f32
      %broadcast_in_dim3A_63 = vector.broadcast %broadcast_in_dim3A_62 : f32 to vector<16xf32>
      %broadcast_in_dim3A_64 = arith.constant 0 : i32
      %broadcast_in_dim3A_65 = vector.broadcast %broadcast_in_dim3A_64 : i32 to vector<16xi32>
      %scan3A_66 = arith.constant 0 : i32
      %mul3A_67 = arith.constant 16 : i32
      %mul3A_68 = arith.muli %scan3A_66, %mul3A_67 : i32
      %get3A = arith.index_cast %mul3A_68 : i32 to index
      %get3A_69 = tpu.vector_load %arg10[%get3A] {strides = array<i32>} : memref<128xf32, #tpu.memory_space<vmem>>, vector<16xf32>,
      %gt3A = arith.cmpf ogt, %get3A_69, %broadcast_in_dim3A_63 : vector<16xf32>
      %select_n3A_70 = arith.select %gt3A, %get3A_69, %broadcast_in_dim3A_63 : vector<16xi1>, vector<16xf32>
      %mul3A_71 = arith.constant 16 : i32
      %mul3A_72 = arith.muli %scan3A_66, %mul3A_71 : i32
      %add3A_73 = vector.broadcast %mul3A_72 : i32 to vector<16xi32>
      %add3A_74 = arith.addi %iota3A, %add3A_73 : vector<16xi32>
      %select_n3A_75 = arith.select %gt3A, %add3A_74, %broadcast_in_dim3A_65 : vector<16xi1>, vector<16xi32>
      %scan3A_76 = arith.constant 1 : i32
      %mul3A_77 = arith.constant 16 : i32
      %mul3A_78 = arith.muli %scan3A_76, %mul3A_77 : i32
      %get3A_79 = arith.index_cast %mul3A_78 : i32 to index
      %get3A_80 = tpu.vector_load %arg10[%get3A_79] {strides = array<i32>} : memref<128xf32, #tpu.memory_space<vmem>>, vector<16xf32>,
      %gt3A_81 = arith.cmpf ogt, %get3A_80, %select_n3A_70 : vector<16xf32>
      %select_n3A_82 = arith.select %gt3A_81, %get3A_80, %select_n3A_70 : vector<16xi1>, vector<16xf32>
      %mul3A_83 = arith.constant 16 : i32
      %mul3A_84 = arith.muli %scan3A_76, %mul3A_83 : i32
      %add3A_85 = vector.broadcast %mul3A_84 : i32 to vector<16xi32>
      %add3A_86 = arith.addi %iota3A, %add3A_85 : vector<16xi32>
      %select_n3A_87 = arith.select %gt3A_81, %add3A_86, %select_n3A_75 : vector<16xi1>, vector<16xi32>
      %scan3A_88 = arith.constant 2 : i32
      %mul3A_89 = arith.constant 16 : i32
      %mul3A_90 = arith.muli %scan3A_88, %mul3A_89 : i32
      %get3A_91 = arith.index_cast %mul3A_90 : i32 to index
      %get3A_92 = tpu.vector_load %arg10[%get3A_91] {strides = array<i32>} : memref<128xf32, #tpu.memory_space<vmem>>, vector<16xf32>,
      %gt3A_93 = arith.cmpf ogt, %get3A_92, %select_n3A_82 : vector<16xf32>
      %select_n3A_94 = arith.select %gt3A_93, %get3A_92, %select_n3A_82 : vector<16xi1>, vector<16xf32>
      %mul3A_95 = arith.constant 16 : i32
      %mul3A_96 = arith.muli %scan3A_88, %mul3A_95 : i32
      %add3A_97 = vector.broadcast %mul3A_96 : i32 to vector<16xi32>
      %add3A_98 = arith.addi %iota3A, %add3A_97 : vector<16xi32>
      %select_n3A_99 = arith.select %gt3A_93, %add3A_98, %select_n3A_87 : vector<16xi1>, vector<16xi32>
      %scan3A_100 = arith.constant 3 : i32
      %mul3A_101 = arith.constant 16 : i32
      %mul3A_102 = arith.muli %scan3A_100, %mul3A_101 : i32
      %get3A_103 = arith.index_cast %mul3A_102 : i32 to index
      %get3A_104 = tpu.vector_load %arg10[%get3A_103] {strides = array<i32>} : memref<128xf32, #tpu.memory_space<vmem>>, vector<16xf32>,
      %gt3A_105 = arith.cmpf ogt, %get3A_104, %select_n3A_94 : vector<16xf32>
      %select_n3A_106 = arith.select %gt3A_105, %get3A_104, %select_n3A_94 : vector<16xi1>, vector<16xf32>
      %mul3A_107 = arith.constant 16 : i32
      %mul3A_108 = arith.muli %scan3A_100, %mul3A_107 : i32
      %add3A_109 = vector.broadcast %mul3A_108 : i32 to vector<16xi32>
      %add3A_110 = arith.addi %iota3A, %add3A_109 : vector<16xi32>
      %select_n3A_111 = arith.select %gt3A_105, %add3A_110, %select_n3A_99 : vector<16xi1>, vector<16xi32>
      %scan3A_112 = arith.constant 4 : i32
      %mul3A_113 = arith.constant 16 : i32
      %mul3A_114 = arith.muli %scan3A_112, %mul3A_113 : i32
      %get3A_115 = arith.index_cast %mul3A_114 : i32 to index
      %get3A_116 = tpu.vector_load %arg10[%get3A_115] {strides = array<i32>} : memref<128xf32, #tpu.memory_space<vmem>>, vector<16xf32>,
      %gt3A_117 = arith.cmpf ogt, %get3A_116, %select_n3A_106 : vector<16xf32>
      %select_n3A_118 = arith.select %gt3A_117, %get3A_116, %select_n3A_106 : vector<16xi1>, vector<16xf32>
      %mul3A_119 = arith.constant 16 : i32
      %mul3A_120 = arith.muli %scan3A_112, %mul3A_119 : i32
      %add3A_121 = vector.broadcast %mul3A_120 : i32 to vector<16xi32>
      %add3A_122 = arith.addi %iota3A, %add3A_121 : vector<16xi32>
      %select_n3A_123 = arith.select %gt3A_117, %add3A_122, %select_n3A_111 : vector<16xi1>, vector<16xi32>
      %scan3A_124 = arith.constant 5 : i32
      %mul3A_125 = arith.constant 16 : i32
      %mul3A_126 = arith.muli %scan3A_124, %mul3A_125 : i32
      %get3A_127 = arith.index_cast %mul3A_126 : i32 to index
      %get3A_128 = tpu.vector_load %arg10[%get3A_127] {strides = array<i32>} : memref<128xf32, #tpu.memory_space<vmem>>, vector<16xf32>,
      %gt3A_129 = arith.cmpf ogt, %get3A_128, %select_n3A_118 : vector<16xf32>
      %select_n3A_130 = arith.select %gt3A_129, %get3A_128, %select_n3A_118 : vector<16xi1>, vector<16xf32>
      %mul3A_131 = arith.constant 16 : i32
      %mul3A_132 = arith.muli %scan3A_124, %mul3A_131 : i32
      %add3A_133 = vector.broadcast %mul3A_132 : i32 to vector<16xi32>
      %add3A_134 = arith.addi %iota3A, %add3A_133 : vector<16xi32>
      %select_n3A_135 = arith.select %gt3A_129, %add3A_134, %select_n3A_123 : vector<16xi1>, vector<16xi32>
      %scan3A_136 = arith.constant 6 : i32
      %mul3A_137 = arith.constant 16 : i32
      %mul3A_138 = arith.muli %scan3A_136, %mul3A_137 : i32
      %get3A_139 = arith.index_cast %mul3A_138 : i32 to index
      %get3A_140 = tpu.vector_load %arg10[%get3A_139] {strides = array<i32>} : memref<128xf32, #tpu.memory_space<vmem>>, vector<16xf32>,
      %gt3A_141 = arith.cmpf ogt, %get3A_140, %select_n3A_130 : vector<16xf32>
      %select_n3A_142 = arith.select %gt3A_141, %get3A_140, %select_n3A_130 : vector<16xi1>, vector<16xf32>
      %mul3A_143 = arith.constant 16 : i32
      %mul3A_144 = arith.muli %scan3A_136, %mul3A_143 : i32
      %add3A_145 = vector.broadcast %mul3A_144 : i32 to vector<16xi32>
      %add3A_146 = arith.addi %iota3A, %add3A_145 : vector<16xi32>
      %select_n3A_147 = arith.select %gt3A_141, %add3A_146, %select_n3A_135 : vector<16xi1>, vector<16xi32>
      %scan3A_148 = arith.constant 7 : i32
      %mul3A_149 = arith.constant 16 : i32
      %mul3A_150 = arith.muli %scan3A_148, %mul3A_149 : i32
      %get3A_151 = arith.index_cast %mul3A_150 : i32 to index
      %get3A_152 = tpu.vector_load %arg10[%get3A_151] {strides = array<i32>} : memref<128xf32, #tpu.memory_space<vmem>>, vector<16xf32>,
      %gt3A_153 = arith.cmpf ogt, %get3A_152, %select_n3A_142 : vector<16xf32>
      %select_n3A_154 = arith.select %gt3A_153, %get3A_152, %select_n3A_142 : vector<16xi1>, vector<16xf32>
      %mul3A_155 = arith.constant 16 : i32
      %mul3A_156 = arith.muli %scan3A_148, %mul3A_155 : i32
      %add3A_157 = vector.broadcast %mul3A_156 : i32 to vector<16xi32>
      %add3A_158 = arith.addi %iota3A, %add3A_157 : vector<16xi32>
      %select_n3A_159 = arith.select %gt3A_153, %add3A_158, %select_n3A_147 : vector<16xi1>, vector<16xi32>
      %scan3A_160 = arith.constant 8 : i32
      %reduce_max3A = arith.constant true
      %reduce_max3A_161 = vector.broadcast %reduce_max3A : i1 to vector<16xi1>
      %reduce_max3A_162 = tpu.scan <max>, %select_n3A_154 masked %reduce_max3A_161 : vector<16xf32>, vector<16xi1> -> vector<16xf32>
      %reduce_max3A_163 = vector.extract %reduce_max3A_162[15] : f32 from vector<16xf32>
      %eq3A = vector.broadcast %reduce_max3A_163 : f32 to vector<16xf32>
      %eq3A_164 = arith.cmpf oeq, %select_n3A_154, %eq3A : vector<16xf32>
      %jit3A_165 = arith.constant 1073741824 : i32
      %broadcast_in_dim3A_166 = vector.broadcast %jit3A_165 : i32 to vector<16xi32>
      %select_n3A_167 = arith.select %eq3A_164, %select_n3A_159, %broadcast_in_dim3A_166 : vector<16xi1>, vector<16xi32>
      %reduce_min3A = arith.constant true
      %reduce_min3A_168 = vector.broadcast %reduce_min3A : i1 to vector<16xi1>
      %reduce_min3A_169 = arith.constant -2147483648 : i32
      %reduce_min3A_170 = vector.broadcast %reduce_min3A_169 : i32 to vector<16xi32>
      %reduce_min3A_171 = arith.xori %select_n3A_167, %reduce_min3A_170 : vector<16xi32>
      %reduce_min3A_172 = tpu.scan <min>, %reduce_min3A_171 masked %reduce_min3A_168 : vector<16xi32>, vector<16xi1> -> vector<16xi32>
      %reduce_min3A_173 = arith.xori %reduce_min3A_172, %reduce_min3A_170 : vector<16xi32>
      %reduce_min3A_174 = vector.extract %reduce_min3A_173[15] : i32 from vector<16xi32>
      %broadcast_in_dim3A_175 = vector.broadcast %reduce_min3A_174 : i32 to vector<16xi32>
      %broadcast_in_dim3A_176 = arith.constant 0xFF800000 : f32
      %broadcast_in_dim3A_177 = vector.broadcast %broadcast_in_dim3A_176 : f32 to vector<16xf32>
      %eq3A_178 = arith.constant 0 : i32
      %eq3A_179 = vector.broadcast %eq3A_178 : i32 to vector<16xi32>
      %eq3A_180 = arith.cmpi eq, %iota3A, %eq3A_179 : vector<16xi32>
      tpu.vector_store_idx %arg10[%broadcast_in_dim3A_175], %broadcast_in_dim3A_177 masked %eq3A_180 : memref<128xf32, #tpu.memory_space<vmem>>[vector<16xi32>], vector<16xf32>, vector<16xi1>
      %eq3A_181 = vector.broadcast %scan3A_59 : i32 to vector<16xi32>
      %eq3A_182 = arith.cmpi eq, %iota3A, %eq3A_181 : vector<16xi32>
      %broadcast_in_dim3A_183 = vector.broadcast %reduce_max3A_163 : f32 to vector<16xf32>
      %select_n3A_184 = arith.select %eq3A_182, %broadcast_in_dim3A_183, %scan3A_60 : vector<16xi1>, vector<16xf32>
      %broadcast_in_dim3A_185 = vector.broadcast %reduce_min3A_174 : i32 to vector<16xi32>
      %select_n3A_186 = arith.select %eq3A_182, %broadcast_in_dim3A_185, %scan3A_61 : vector<16xi1>, vector<16xi32>
      scf.yield %select_n3A_184, %select_n3A_186 : vector<16xf32>, vector<16xi32>
    }
    %scan3A_30 = arith.constant 16 : i32
    %swap3A = arith.constant 0 : index
    %swap3A_31 = tpu.vector_load %arg13[%swap3A] {strides = array<i32>} : memref<16xf32, #tpu.memory_space<vmem>>, vector<16xf32>,
    tpu.vector_store %arg13[%swap3A], %scan3A_29#0 {strides = array<i32>} : memref<16xf32, #tpu.memory_space<vmem>>, vector<16xf32>,
    %jit3A = arith.constant 16 : i32
    %div3A = vector.broadcast %jit3A : i32 to vector<16xi32>
    %div3A_32 = arith.divsi %scan3A_29#1, %div3A : vector<16xi32>
    %sign3A = arith.constant 0 : i32
    %sign3A_33 = vector.broadcast %sign3A : i32 to vector<16xi32>
    %sign3A_34 = arith.cmpi sgt, %scan3A_29#1, %sign3A_33 : vector<16xi32>
    %sign3A_35 = arith.extui %sign3A_34 : vector<16xi1> to vector<16xi32>
    %sign3A_36 = arith.constant 0 : i32
    %sign3A_37 = vector.broadcast %sign3A_36 : i32 to vector<16xi32>
    %sign3A_38 = arith.cmpi slt, %scan3A_29#1, %sign3A_37 : vector<16xi32>
    %sign3A_39 = arith.extui %sign3A_38 : vector<16xi1> to vector<16xi32>
    %sign3A_40 = arith.subi %sign3A_35, %sign3A_39 : vector<16xi32>
    %sign3A_41 = arith.constant 0 : i32
    %sign3A_42 = arith.cmpi sgt, %jit3A, %sign3A_41 : i32
    %sign3A_43 = arith.extui %sign3A_42 : i1 to i32
    %sign3A_44 = arith.constant 0 : i32
    %sign3A_45 = arith.cmpi slt, %jit3A, %sign3A_44 : i32
    %sign3A_46 = arith.extui %sign3A_45 : i1 to i32
    %sign3A_47 = arith.subi %sign3A_43, %sign3A_46 : i32
    %ne3A = vector.broadcast %sign3A_47 : i32 to vector<16xi32>
    %ne3A_48 = arith.cmpi ne, %sign3A_40, %ne3A : vector<16xi32>
    %rem3A = vector.broadcast %jit3A : i32 to vector<16xi32>
    %rem3A_49 = arith.remsi %scan3A_29#1, %rem3A : vector<16xi32>
    %ne3A_50 = arith.constant 0 : i32
    %ne3A_51 = vector.broadcast %ne3A_50 : i32 to vector<16xi32>
    %ne3A_52 = arith.cmpi ne, %rem3A_49, %ne3A_51 : vector<16xi32>
    %and3A = arith.andi %ne3A_48, %ne3A_52 : vector<16xi1>
    %sub3A = arith.constant 1 : i32
    %sub3A_53 = vector.broadcast %sub3A : i32 to vector<16xi32>
    %sub3A_54 = arith.subi %div3A_32, %sub3A_53 : vector<16xi32>
    %select_n3A = arith.select %and3A, %sub3A_54, %div3A_32 : vector<16xi1>, vector<16xi32>
    %swap3A_55 = arith.constant 0 : index
    %swap3A_56 = tpu.vector_load %arg15[%swap3A_55] {strides = array<i32>} : memref<16xi32, #tpu.memory_space<vmem>>, vector<16xi32>,
    tpu.vector_store %arg15[%swap3A_55], %select_n3A {strides = array<i32>} : memref<16xi32, #tpu.memory_space<vmem>>, vector<16xi32>,
    %gather3A = tpu.vector_load_idx %arg11[%scan3A_29#1] : memref<128xi32, #tpu.memory_space<vmem>>[vector<16xi32>], vector<16xi32>,
    %swap3A_57 = arith.constant 0 : index
    %swap3A_58 = tpu.vector_load %arg14[%swap3A_57] {strides = array<i32>} : memref<16xi32, #tpu.memory_space<vmem>>, vector<16xi32>,
    tpu.vector_store %arg14[%swap3A_57], %gather3A {strides = array<i32>} : memref<16xi32, #tpu.memory_space<vmem>>, vector<16xi32>,
    "tpu.region"() ({
      %run_scoped3A = tpu.sem_alloc : memref<!tpu.dma_semaphore, #tpu.memory_space<semaphore_mem>>
      %dma_start3A = arith.constant 0 : i32
      %dma_start3A_59 = tpu.memref_slice %arg4[%add3A, %dma_start3A] : memref<32x16xf32, #tpu.memory_space<hbm>> -> memref<1x16xf32, #tpu.memory_space<hbm>>
      %dma_start3A_60 = tpu.memref_squeeze %dma_start3A_59 : memref<1x16xf32, #tpu.memory_space<hbm>> -> memref<16xf32, #tpu.memory_space<hbm>>
      %dma_start3A_61 = arith.constant 0 : i32
      %dma_start3A_62 = tpu.memref_slice %arg4[%add3A, %dma_start3A_61] : memref<32x16xf32, #tpu.memory_space<hbm>> -> memref<1x16xf32, #tpu.memory_space<hbm>>
      %dma_start3A_63 = tpu.memref_squeeze %dma_start3A_62 : memref<1x16xf32, #tpu.memory_space<hbm>> -> memref<16xf32, #tpu.memory_space<hbm>>
      tpu.enqueue_dma source(%arg13 : memref<16xf32, #tpu.memory_space<vmem>>) target(%dma_start3A_63 : memref<16xf32, #tpu.memory_space<hbm>>) target_semaphore(%run_scoped3A : memref<!tpu.dma_semaphore, #tpu.memory_space<semaphore_mem>>)
      %dma_wait3A = arith.constant 0 : i32
      %dma_wait3A_64 = tpu.memref_slice %arg4[%add3A, %dma_wait3A] : memref<32x16xf32, #tpu.memory_space<hbm>> -> memref<1x16xf32, #tpu.memory_space<hbm>>
      %dma_wait3A_65 = tpu.memref_squeeze %dma_wait3A_64 : memref<1x16xf32, #tpu.memory_space<hbm>> -> memref<16xf32, #tpu.memory_space<hbm>>
      %dma_wait3A_66 = arith.constant 0 : i32
      %dma_wait3A_67 = tpu.memref_slice %arg4[%add3A, %dma_wait3A_66] : memref<32x16xf32, #tpu.memory_space<hbm>> -> memref<1x16xf32, #tpu.memory_space<hbm>>
      %dma_wait3A_68 = tpu.memref_squeeze %dma_wait3A_67 : memref<1x16xf32, #tpu.memory_space<hbm>> -> memref<16xf32, #tpu.memory_space<hbm>>
      tpu.wait_dma2 semaphore(%run_scoped3A : memref<!tpu.dma_semaphore, #tpu.memory_space<semaphore_mem>>) src(%arg13 : memref<16xf32, #tpu.memory_space<vmem>>) dst(%dma_wait3A_68 : memref<16xf32, #tpu.memory_space<hbm>>)
      tpu.yield
    }) : () -> ()
    "tpu.region"() ({
      %run_scoped3A = tpu.sem_alloc : memref<!tpu.dma_semaphore, #tpu.memory_space<semaphore_mem>>
      %dma_start3A = arith.constant 0 : i32
      %dma_start3A_59 = tpu.memref_slice %arg5[%add3A, %dma_start3A] : memref<32x16xi32, #tpu.memory_space<hbm>> -> memref<1x16xi32, #tpu.memory_space<hbm>>
      %dma_start3A_60 = tpu.memref_squeeze %dma_start3A_59 : memref<1x16xi32, #tpu.memory_space<hbm>> -> memref<16xi32, #tpu.memory_space<hbm>>
      %dma_start3A_61 = arith.constant 0 : i32
      %dma_start3A_62 = tpu.memref_slice %arg5[%add3A, %dma_start3A_61] : memref<32x16xi32, #tpu.memory_space<hbm>> -> memref<1x16xi32, #tpu.memory_space<hbm>>
      %dma_start3A_63 = tpu.memref_squeeze %dma_start3A_62 : memref<1x16xi32, #tpu.memory_space<hbm>> -> memref<16xi32, #tpu.memory_space<hbm>>
      tpu.enqueue_dma source(%arg14 : memref<16xi32, #tpu.memory_space<vmem>>) target(%dma_start3A_63 : memref<16xi32, #tpu.memory_space<hbm>>) target_semaphore(%run_scoped3A : memref<!tpu.dma_semaphore, #tpu.memory_space<semaphore_mem>>)
      %dma_wait3A = arith.constant 0 : i32
      %dma_wait3A_64 = tpu.memref_slice %arg5[%add3A, %dma_wait3A] : memref<32x16xi32, #tpu.memory_space<hbm>> -> memref<1x16xi32, #tpu.memory_space<hbm>>
      %dma_wait3A_65 = tpu.memref_squeeze %dma_wait3A_64 : memref<1x16xi32, #tpu.memory_space<hbm>> -> memref<16xi32, #tpu.memory_space<hbm>>
      %dma_wait3A_66 = arith.constant 0 : i32
      %dma_wait3A_67 = tpu.memref_slice %arg5[%add3A, %dma_wait3A_66] : memref<32x16xi32, #tpu.memory_space<hbm>> -> memref<1x16xi32, #tpu.memory_space<hbm>>
      %dma_wait3A_68 = tpu.memref_squeeze %dma_wait3A_67 : memref<1x16xi32, #tpu.memory_space<hbm>> -> memref<16xi32, #tpu.memory_space<hbm>>
      tpu.wait_dma2 semaphore(%run_scoped3A : memref<!tpu.dma_semaphore, #tpu.memory_space<semaphore_mem>>) src(%arg14 : memref<16xi32, #tpu.memory_space<vmem>>) dst(%dma_wait3A_68 : memref<16xi32, #tpu.memory_space<hbm>>)
      tpu.yield
    }) : () -> ()
    "tpu.region"() ({
      %run_scoped3A = tpu.sem_alloc : memref<!tpu.dma_semaphore, #tpu.memory_space<semaphore_mem>>
      %dma_start3A = arith.constant 0 : i32
      %dma_start3A_59 = tpu.memref_slice %arg6[%add3A, %dma_start3A] : memref<32x16xi32, #tpu.memory_space<hbm>> -> memref<1x16xi32, #tpu.memory_space<hbm>>
      %dma_start3A_60 = tpu.memref_squeeze %dma_start3A_59 : memref<1x16xi32, #tpu.memory_space<hbm>> -> memref<16xi32, #tpu.memory_space<hbm>>
      %dma_start3A_61 = arith.constant 0 : i32
      %dma_start3A_62 = tpu.memref_slice %arg6[%add3A, %dma_start3A_61] : memref<32x16xi32, #tpu.memory_space<hbm>> -> memref<1x16xi32, #tpu.memory_space<hbm>>
      %dma_start3A_63 = tpu.memref_squeeze %dma_start3A_62 : memref<1x16xi32, #tpu.memory_space<hbm>> -> memref<16xi32, #tpu.memory_space<hbm>>
      tpu.enqueue_dma source(%arg15 : memref<16xi32, #tpu.memory_space<vmem>>) target(%dma_start3A_63 : memref<16xi32, #tpu.memory_space<hbm>>) target_semaphore(%run_scoped3A : memref<!tpu.dma_semaphore, #tpu.memory_space<semaphore_mem>>)
      %dma_wait3A = arith.constant 0 : i32
      %dma_wait3A_64 = tpu.memref_slice %arg6[%add3A, %dma_wait3A] : memref<32x16xi32, #tpu.memory_space<hbm>> -> memref<1x16xi32, #tpu.memory_space<hbm>>
      %dma_wait3A_65 = tpu.memref_squeeze %dma_wait3A_64 : memref<1x16xi32, #tpu.memory_space<hbm>> -> memref<16xi32, #tpu.memory_space<hbm>>
      %dma_wait3A_66 = arith.constant 0 : i32
      %dma_wait3A_67 = tpu.memref_slice %arg6[%add3A, %dma_wait3A_66] : memref<32x16xi32, #tpu.memory_space<hbm>> -> memref<1x16xi32, #tpu.memory_space<hbm>>
      %dma_wait3A_68 = tpu.memref_squeeze %dma_wait3A_67 : memref<1x16xi32, #tpu.memory_space<hbm>> -> memref<16xi32, #tpu.memory_space<hbm>>
      tpu.wait_dma2 semaphore(%run_scoped3A : memref<!tpu.dma_semaphore, #tpu.memory_space<semaphore_mem>>) src(%arg15 : memref<16xi32, #tpu.memory_space<vmem>>) dst(%dma_wait3A_68 : memref<16xi32, #tpu.memory_space<hbm>>)
      tpu.yield
    }) : () -> ()
    return
  }
}

</mosaic_0001>

<sc_bundles>
// kernel: kernel.3.cloned.1.call-start
scs
__scs_entry_jumppad:
0x0: {  	(pc) =	sbr.rel $0x88, $3  }
0x1: {  	(tag) =	ssettag $0x0;
	lr =	simm.s32 $0x1  }
0x2: {  	[smem:$0x3F9E] =	sst lr;
	_ =	strace $0xD0000000  }
0x3: {  	_ = 	snop  }
0x4: {  	_ = 	snop  }
0x5: {  	_ = 	snop  }
0x6: {  	_ = 	snop  }
0x7: {  	_ = 	snop  }
__scs_overlays_trampoline_lowered:
0x8: {  	[smem:$0x3FAD] =	sst s0  }
0x9: {  	[smem:$0x3FAE] =	sst s1  }
0xa: {  	[smem:$0x3FAF] =	sst s2  }
0xb: {  	[smem:$0x3FB0] =	sst s3  }
0xc: {  	[smem:$0x3FB1] =	sst s4  }
0xd: {  	[smem:$0x3FB2] =	sst s5  }
0xe: {  	[smem:$0x3FB3] =	sst s6  }
0xf: {  	[smem:$0x3FB4] =	sst s7  }
0x10: {  	[smem:$0x3FB5] =	sst s8  }
0x11: {  	[smem:$0x3FB6] =	sst s9;
	s0 =	simm.s32 @!p0 $0x0  }
0x12: {  	s1 =	sld [smem:$0x3F9C];
	s0 =	simm.s32 @p0 $0x1  }
0x13: {  	[smem:$0x3FB7] =	sst s0;
	s0 =	simm.s32 @!p1 $0x0  }
0x14: {  	s2 =	sld [smem:$0x3F9B];
	s0 =	simm.s32 @p1 $0x1  }
0x15: {  	[smem:$0x3FB8] =	sst s0;
	s0 =	simm.s32 @!p2 $0x0  }
0x16: {  	s3 =	sld [smem:$0x3FDB];
	s0 =	simm.s32 @p2 $0x1  }
0x17: {  	s4 =	simm.s32 $0x1BF5;
	[smem:$0x3FBA] =	sst s0  }
0x18: {  	s0 =	sld [smem:$0x3F9D];
	_ =	swait.ge [sflag:s4], $0x0  }
0x19: {  	s7 =	sld [smem:$0x3F9E]  }
0x1a: {  	s8 =	sadd.s32 $0xFFFFE003, lr  }
0x1b: {  	s9 =	sadd.s32 $0xFFFFFEF7, lr;
	s5 =	simm.s32 $0xFFFFFFFF;
	p2 =	slt.u32 s8, $0xFFFFF086  }
0x1c: {  	p1 =	slt.u32 s9, $0xF7A;
	s5 =	simm.s32 @!p2 $0x0  }
0x1d: {  	s5 =	simm.s32 @p1 $0x1;
	p0 =	seq.s32 s7, s2  }
0x1e: {  	s7 =	smul.u32 @!p0 $0xF7A, s2;
	p2 =	seq.s32 @!p0 s5, $0x0  }
0x1f: {  	s9 =	smul.u32 $0xF7A, s1;
	s8 =	simm.s32 @!p0 $0x1BF5;
	p2 =	por !p2, p0  }
0x20: {  	[sflag:s8] =	ssyncset.s32 @!p0 $0xFFFFF086;
	s6 =	sadd.s32 @!p0 s3, s7;
	s7 =	simm.s32 @!p0 $0x108  }
0x21: {  	s3 =	sadd.s32 s3, s9;
	s6 =	sadd.s32 @!p0 $0x88, s6;
	s7 =	simm.s32 @p2 $0x1082  }
0x22: {  	[simem:s7], [sflag:s8] =	dma.local @!p0 [hbm:s6], $0xF7A  }
0x23: {  	s9 =	sor.u32 $0xD0000000, s2;
	s6 =	simm.s32 $0x108;
	_ =	swait.ge @!p0 [sflag:s8], $0x0  }
0x24: {  	s3 =	sadd.s32 $0x88, s3;
	s6 =	simm.s32 @!p1 $0x1082;
	[sflag:s4] =	ssyncset.s32 $0xFFFFF086  }
0x25: {  	[simem:s6], [sflag:s4] =	dma.local [hbm:s3], $0xF7A  }
0x26: {  	[smem:$0x3F9E] =	sst s1;
	(tag) =	ssettag s2;
	_ =	strace s9  }
0x27: {  	s1 =	sld [smem:$0x3FAE]  }
0x28: {  	s2 =	sld [smem:$0x3FAF]  }
0x29: {  	s4 =	sld [smem:$0x3FB1]  }
0x2a: {  	p0 =	seq.s32 s5, $0x0;
	s5 =	sld [smem:$0x3FB2]  }
0x2b: {  	s6 =	sld [smem:$0x3FB3]  }
0x2c: {  	s7 =	sld [smem:$0x3FB4]  }
0x2d: {  	s3 =	simm.s32 $0x108;
	s8 =	sld [smem:$0x3FB5]  }
0x2e: {  	s3 =	simm.s32 @!p0 $0x1082;
	s9 =	sld [smem:$0x3FB6]  }
0x2f: {  	lr =	sadd.s32 s0, s3;
	s0 =	sld [smem:$0x3FAD]  }
0x30: {  	s3 =	sld [smem:$0x3FB0]  }
0x31: {  	[smem:$0x3FB9] =	sst s10  }
0x32: {  	s10 =	sld [smem:$0x3FB7];
	_ =	sdelay $0x3  }
0x33: {  	p0 =	seq.s32 s10, $0x1;
	s10 =	sld [smem:$0x3FB9];
	_ =	sdelay $0x3  }
0x34: {  	[smem:$0x3FB9] =	sst s10  }
0x35: {  	s10 =	sld [smem:$0x3FB8];
	_ =	sdelay $0x3  }
0x36: {  	p1 =	seq.s32 s10, $0x1;
	s10 =	sld [smem:$0x3FB9];
	_ =	sdelay $0x3  }
0x37: {  	[smem:$0x3FB9] =	sst s10  }
0x38: {  	s10 =	sld [smem:$0x3FBA]  }
0x39: {  	_ = 	snop;
	(pc) =	sbr.ind lr, $3  }
0x3a: {  	_ = 	snop  }
0x3b: {  	_ = 	snop  }
0x3c: {  	p2 =	seq.s32 s10, $0x1;
	s10 =	sld [smem:$0x3FB9]  }
0x3d: {  	_ =	shalt  }
0x3e: {  	_ =	shalt  }
0x3f: {  	_ =	shalt  }
0x40: {  	_ =	shalt  }
0x41: {  	_ =	shalt  }
0x42: {  	_ =	shalt  }
0x43: {  	_ =	shalt  }
0x44: {  	_ =	shalt  }
0x45: {  	_ =	shalt  }
0x46: {  	_ =	shalt  }
0x47: {  	_ =	shalt  }
0x48: {  	_ =	shalt  }
0x49: {  	_ =	shalt  }
0x4a: {  	_ =	shalt  }
0x4b: {  	_ =	shalt  }
0x4c: {  	_ =	shalt  }
0x4d: {  	_ =	shalt  }
0x4e: {  	_ =	shalt  }
0x4f: {  	_ =	shalt  }
0x50: {  	_ =	shalt  }
0x51: {  	_ =	shalt  }
0x52: {  	_ =	shalt  }
0x53: {  	_ =	shalt  }
0x54: {  	_ =	shalt  }
0x55: {  	_ =	shalt  }
0x56: {  	_ =	shalt  }
0x57: {  	_ =	shalt  }
0x58: {  	_ =	shalt  }
0x59: {  	_ =	shalt  }
0x5a: {  	_ =	shalt  }
0x5b: {  	_ =	shalt  }
0x5c: {  	_ =	shalt  }
0x5d: {  	_ =	shalt  }
0x5e: {  	_ =	shalt  }
0x5f: {  	_ =	shalt  }
0x60: {  	_ =	shalt  }
0x61: {  	_ =	shalt  }
0x62: {  	_ =	shalt  }
0x63: {  	_ =	shalt  }
0x64: {  	_ =	shalt  }
0x65: {  	_ =	shalt  }
0x66: {  	_ =	shalt  }
0x67: {  	_ =	shalt  }
0x68: {  	_ =	shalt  }
0x69: {  	_ =	shalt  }
0x6a: {  	_ =	shalt  }
0x6b: {  	_ =	shalt  }
0x6c: {  	_ =	shalt  }
0x6d: {  	_ =	shalt  }
0x6e: {  	_ =	shalt  }
0x6f: {  	_ =	shalt  }
0x70: {  	_ =	shalt  }
0x71: {  	_ =	shalt  }
0x72: {  	_ =	shalt  }
0x73: {  	_ =	shalt  }
0x74: {  	_ =	shalt  }
0x75: {  	_ =	shalt  }
0x76: {  	_ =	shalt  }
0x77: {  	_ =	shalt  }
0x78: {  	_ =	shalt  }
0x79: {  	_ =	shalt  }
0x7a: {  	_ =	shalt  }
0x7b: {  	_ =	shalt  }
0x7c: {  	_ =	shalt  }
0x7d: {  	_ =	shalt  }
0x7e: {  	_ =	shalt  }
0x7f: {  	_ =	shalt  }
0x80: {  	_ =	shalt  }
0x81: {  	_ =	shalt  }
0x82: {  	_ =	shalt  }
0x83: {  	_ =	shalt  }
0x84: {  	_ =	shalt  }
0x85: {  	_ =	shalt  }
0x86: {  	_ =	shalt  }
0x87: {  	_ =	shalt  }
.Lfunc_end0:
.L_simem_size_0:
called_computation_lowered:
.L_overlay_start_0:
0x88: {  	s2 =	sld [smem:$0x3FD9]  }
0x89: {  	s3 =	sld [smem:$0x3FFE];
	_ =	sdelay $0x1  }
0x8a: {  	s1 =	srdreg.scid  }
0x8b: {  	s0 =	sand.u32 $0x1, s1  }
0x8c: {  	s14 =	sshll.u32 s0, $0xA;
	s2 =	sadd.s32 s3, s2  }
0x8d: {  	s2 =	sadd.s32 s2, s14  }
0x8e: {  	[smem:$0x3FC5] =	sst s2  }
0x8f: {  	_ = 	snop  }
0x90: {  	s2 =	sld [smem:$0x3FD0];
	_ =	sdelay $0x2  }
0x91: {  	s15 =	simm.s32 $0xA;
	s4 =	simm.s32 $0x10  }
0x92: {  	[smem:s4], [sflag:s15] =	dma.local [hbm:s2], $0x1  }
0x93: {  	_ =	swait.eq [sflag:s15], $0x1  }
0x94: {  	[sflag:s15] =	ssyncset.done $0x0  }
0x95: {  	s16 =	sld [smem:$0x11];
	[sflag:s15] =	ssyncadd.s32 $0xFFFFFFFF  }
0x96: {  	s17 =	sld [smem:$0x12];
	(tm) =	ssettm $0x1  }
0x97: {  	s18 =	sld [smem:$0x3FFB];
	_ =	sdelay $0x3  }
0x98: {  	_ =	strace s18  }
0x99: {  	s4 =	sld [smem:$0x3FFC];
	_ =	sdelay $0x3  }
0x9a: {  	_ =	strace s4  }
0x9b: {  	s4 =	sld [smem:$0x3FFD];
	_ =	sdelay $0x3  }
0x9c: {  	_ =	strace s4  }
0x9d: {  	_ =	strace $0x8FFFFFFF  }
0x9e: {  	s19 =	sld [smem:$0x3FDB];
	_ =	sdelay $0x1  }
0x9f: {  	s5 =	simm.s32 $_scs_section_size  }
0xa0: {  	s6 =	simm.s32 $_size__tile_overlayer_lowered;
	s7 =	simm.s32 $_tile_overlayer_lowered  }
0xa1: {  	s22 =	simm.s32 $0x1BFF;
	s21 =	sshll.u32 s7, $0x1;
	s4 =	sadd.s32 s5, s19  }
0xa2: {  	s8 =	simm.s32 $0x0;
	s20 =	sshll.u32 s6, $0x1;
	s6 =	sadd.s32 s21, s4  }
0xa3: {  	[timem:s8], [sflag:s22] =	dma.local [hbm:s6], s20  }
0xa4: {  	_ =	swait.ge [sflag:s22], s20  }
0xa5: {  	s5 =	ssub.s32 $0x0, s20;
	[sflag:s22] =	ssyncset.done $0x0  }
0xa6: {  	[sflag:s22] =	ssyncadd.s32 s5;
	_ =	sdelay $0x1  }
0xa7: {  	s23 =	simm.s32 $0x1B8B  }
0xa8: {  	_ =	swait.ge [sflag:s23], $0x1  }
0xa9: {  	[sflag:s23] =	ssyncset.done $0x0  }
0xaa: {  	s25 =	simm.s32 $0x1B8E;
	s24 =	sld [smem:$0x3FFE];
	[sflag:s23] =	ssyncadd.s32 $0xFFFFFFFF  }
0xab: {  	s26 =	simm.s32 $execute0_lowered;
	[smem:$0x3FD2] =	sst s25  }
0xac: {  	s6 =	sshll.u32 s26, $0x1;
	_ =	strace $0x80000046;
	[dreg:$0x1] =	wrdreg $0xFFFFFFFF  }
0xad: {  	s28 =	simm.s32 $_size_execute0_lowered;
	s4 =	sadd.s32 s4, s6;
	[dreg:$0x0] =	wrdreg $0x0  }
0xae: {  	s6 =	sshll.u32 s28, $0x1;
	[dreg:$0x2] =	wrdreg s4  }
0xaf: {  	[dreg:$0x3] =	wrdreg s6  }
0xb0: {  	[dreg:$0x4] =	wrdreg $0xC0  }
0xb1: {  	_ =	task [dreg:s8], $0x5FFFF  }
0xb2: {  	[dreg:$0x1] =	wrdreg $0xFFFFFFFF  }
0xb3: {  	[dreg:$0x0] =	wrdreg $0x60  }
0xb4: {  	[dreg:$0x2] =	wrdreg s24  }
0xb5: {  	[dreg:$0x3] =	wrdreg s17  }
0xb6: {  	[dreg:$0x4] =	wrdreg s16  }
0xb7: {  	[dreg:$0x5] =	wrdreg $0x9  }
0xb8: {  	_ =	task.clear_ibuf [dreg:s8], $0x6FFFF;
	_ =	strace $0x90000046  }
0xb9: {  	s29 =	simm.s32 $0x9;
	_ =	strace $0x80000048  }
0xba: {  	_ =	swait.ge [sflag:s29], $0x1  }
0xbb: {  	[sflag:s29] =	ssyncadd.s32 $0xFFFFFFFF  }
0xbc: {  	_ =	strace $0x90000048  }
0xbd: {  	_ =	sfence  }
0xbe: {  	s30 =	sld [smem:$0x0];
	_ =	sdelay $0x2  }
0xbf: {  	s31 =	sshll.u32 s1, $0xD;
	s1 =	sshrl.u32 s1, $0x2  }
0xc0: {  	s3 =	sand.u32 $0x4000, s31;
	s1 =	sadd.s32 s1, s30  }
0xc1: {  	s0 =	sor.u32 s3, s0;
	s1 =	sshll.u32 s1, $0x11  }
0xc2: {  	s0 =	sor.u32 s1, s0  }
0xc3: {  	s0 =	sadd.s32 $0x8F2B, s0  }
0xc4: {  	[sflag:s0] =	ssyncadd.remote.s32 $0x1  }
0xc5: {  	_ =	sfence.sel $0xFFFF  }
0xc6: {  	[dreg:$0x0] =	wrdreg $0xFFFFFFFF;
	(pc) =	sbr.abs _section_cstart, $3  }
0xc7: {  	[dreg:$0x1] =	wrdreg $0xFFFFFFFF  }
0xc8: {  	_ =	task.clear_ibuf [dreg:s8], $0x2FFFF;
	_ =	strace $0x9FFFFFFF  }
0xc9: {  	(tm) =	ssettm $0x7FFFFFFF  }
tec
execute0_lowered:
.L_overlay_start_1:
0x0: {  	(tag) =	ssettag $0x1  }
0x1: {  	v0 =	vimm.f32 $-8.000000000e+00;
	vm0 =	vcmask $0x300  }
0x2: {  	vm14 =	vcmask $0x704;
	v0 =	vsel vm0, $0xBF000000, v0  }
0x3: {  	vm15 =	vcmask $0xB08;
	v0 =	vsel vm14, $0xBF800000, v0  }
0x4: {  	s0 =	rddreg [dreg:$0x0];
	vm4 =	vcmask $0xF0C;
	v0 =	vsel vm15, $0xBFC00000, v0  }
0x5: {  	s2 =	rddreg [dreg:$0x1];
	vm5 =	vcmask $0x1310;
	v0 =	vsel vm4, $0xC0000000, v0  }
0x6: {  	s6 =	rddreg [dreg:$0x2];
	vm6 =	vcmask $0x1714;
	v0 =	vsel vm5, $0xC0200000, v0  }
0x7: {  	s1 =	simm.s32 $0x0;
	s3 =	srdreg.scid;
	s5 =	stileid.u32;
	vm7 =	vcmask $0x1B18;
	v0 =	vsel vm6, $0xC0400000, v0  }
0x8: {  	vm8 =	vcmask $0x1F1C;
	[smem:$0x7FF] =	sst s1;
	s4 =	sand.u32 $0x1, s3;
	s5 =	sshll.u32 s5, $0x1;
	v0 =	vsel vm7, $0xC0600000, v0  }
0x9: {  	vm9 =	vcmask $0x2320;
	s26 =	sadd.s32 $0xA00, s0;
	s28 =	sadd.s32 $0x800, s0;
	_ =	strace $0x80000047;
	v0 =	vsel vm8, $0xC0800000, v0  }
0xa: {  	vm10 =	vcmask $0x2724;
	[dreg:$0x4] =	wrdreg s26;
	s5 =	sor.u32 s4, s5;
	s7 =	ssub.s32 $0x2, s4;
	v0 =	vsel vm9, $0xC0900000, v0  }
0xb: {  	vm11 =	vcmask $0x2B28;
	[dreg:$0x5] =	wrdreg s28;
	s8 =	sshll.u32 s5, $0x1;
	s29 =	sshll.u32 s5, $0x3;
	v0 =	vsel vm10, $0xC0A00000, v0  }
0xc: {  	vm12 =	vcmask $0x2F2C;
	s9 =	sshrl.u32 s7, $0x1;
	[dreg:$0x6] =	wrdreg s29;
	s2 =	sadd.s32 s2, s8;
	v0 =	vsel vm11, $0xC0B00000, v0  }
0xd: {  	vm13 =	vcmask $0x3330;
	s0 =	sadd.s32 s8, s0;
	s30 =	sadd.s32 s6, s8;
	[dreg:$0x7] =	wrdreg s2;
	v0 =	vsel vm12, $0xC0C00000, v0  }
0xe: {  	vm14 =	vcmask $0x3734;
	s7 =	ssub.s32 s7, s9;
	[dreg:$0x8] =	wrdreg s30;
	s0 =	sadd.s32 $0x30DE00, s0;
	v1 =	vsel vm13, $0xC0D00000, v0  }
0xf: {  	s12 =	simm.s32 $0x3;
	v2 =	vlaneseq.u32;
	vm15 =	vcmask $0x3B38;
	s31 =	smax.u32 s7, $0x1;
	[dreg:$0x9] =	wrdreg s0;
	v3 =	vsel vm14, $0xC0E00000, v1  }
0x10: {  	s15 =	simm.s32 $0x18E90;
	s2 =	simm.s32 $0x0;
	[dreg:$0xa] =	wrdreg s31;
	v0 =	vimm.f32 $-Inf;
	v1 =	vimm.s32 $0x0;
	v3 =	vsel vm15, $0xC0F00000, v3  }
.LBB2_1:
0x11: {  	[tilespmem:$0x186A0] =	vst v0  }
0x12: {  	[tilespmem:$0x186B0] =	vst v0  }
0x13: {  	[tilespmem:$0x186C0] =	vst v0  }
0x14: {  	[tilespmem:$0x186D0] =	vst v0  }
0x15: {  	[tilespmem:$0x186E0] =	vst v0  }
0x16: {  	[tilespmem:$0x186F0] =	vst v0  }
0x17: {  	[tilespmem:$0x18700] =	vst v0  }
0x18: {  	[tilespmem:$0x18710] =	vst v0  }
0x19: {  	[tilespmem:$0x18720] =	vst v0  }
0x1a: {  	[tilespmem:$0x18730] =	vst v0  }
0x1b: {  	[tilespmem:$0x18740] =	vst v0  }
0x1c: {  	[tilespmem:$0x18750] =	vst v0  }
0x1d: {  	[tilespmem:$0x18760] =	vst v0  }
0x1e: {  	[tilespmem:$0x18770] =	vst v0  }
0x1f: {  	[tilespmem:$0x18780] =	vst v0  }
0x20: {  	[tilespmem:$0x18790] =	vst v0  }
0x21: {  	[tilespmem:$0x187A0] =	vst v0  }
0x22: {  	[tilespmem:$0x187B0] =	vst v0  }
0x23: {  	[tilespmem:$0x187C0] =	vst v0  }
0x24: {  	[tilespmem:$0x187D0] =	vst v0  }
0x25: {  	[tilespmem:$0x187E0] =	vst v0  }
0x26: {  	[dreg:$0xb] =	wrdreg s2;
	[tilespmem:$0x187F0] =	vst v0;
	s21 =	simm.s32 $0x0  }
.LBB2_2:
0x27: {  	s0 =	rddreg [dreg:$0x6]  }
0x28: {  	s2 =	sadd.s32 s0, s21  }
0x29: {  	s0 =	smul.u32 $0x186A0, s2;
	_ =	sdelay $0x1  }
0x2a: {  	s3 =	rddreg [dreg:$0x4];
	s0 =	sshrl.u32 s0, $0x3  }
0x2b: {  	s28 =	simm.s32 $0xC000;
	s6 =	sadd.s32 s3, s0;
	s0 =	simm.s32 $0x0  }
0x2c: {  	[tilespmem:s0], [sflag:$0x1] =	stream.linear.gather [hbm4b:s6+s0], $0xC000, $0x38;
	[tilespmem:$0x18FD0] =	vst v63  }
0x2d: {  	s29 =	rddreg [dreg:$0x5];
	s2 =	sshll.u32 s2, $0x1;
	s6 =	sadd.s32 $0x1800, s6  }
0x2e: {  	[tilespmem:s28], [sflag:$0x2] =	stream.linear.gather [hbm4b:s6+s0], $0xC6A0, $0x38;
	[tilespmem:$0x18FD0] =	vst v63  }
0x2f: {  	s30 =	simm.s32 $0x18F90;
	s2 =	sadd.s32 s29, s2  }
0x30: {  	[tilespmem:s30], [sflag:$0x3] =	stream.linear.gather [hbm4b:s2+s0], $0x10, $0x38;
	[tilespmem:$0x18FD0] =	vst v63  }
0x31: {  	_ =	swait.ge [sflag:s12], $0x10  }
0x32: {  	[sflag:s12] =	ssyncset.done $0x0  }
0x33: {  	s31 =	simm.s32 $0x1;
	[sflag:s12] =	ssyncadd.s32 $0xFFFFFFF0  }
0x34: {  	_ =	swait.ge [sflag:s31], $0xC000  }
0x35: {  	[sflag:s31] =	ssyncset.done $0x0  }
0x36: {  	s2 =	simm.s32 $0x80;
	[sflag:s31] =	ssyncadd.s32 $0xFFFF4000  }
.LBB2_3:
0x37: {  	v4 =	vld [tilespmem:s2+$0xFFFFFF80]  }
0x38: {  	v5 =	vld [tilespmem:s2+$0xFFFFFF90]  }
0x39: {  	v6 =	vld [tilespmem:s2+$0xFFFFFFA0]  }
0x3a: {  	v7 =	vld [tilespmem:s2+$0xFFFFFFB0]  }
0x3b: {  	v8 =	vimm.f32 $-Inf;
	v9 =	vld [tilespmem:s2+$0xFFFFFFC0]  }
0x3c: {  	v4 =	vmax.f32 v8, v4;
	v8 =	vld [tilespmem:s2+$0xFFFFFFD0]  }
0x3d: {  	v4 =	vmax.f32 v4, v5;
	v5 =	vld [tilespmem:s2+$0xFFFFFFE0]  }
0x3e: {  	v4 =	vmax.f32 v4, v6;
	v6 =	vld [tilespmem:s2+$0xFFFFFFF0]  }
0x3f: {  	v4 =	vmax.f32 v4, v7;
	v7 =	vld [tilespmem:s2+$0x0]  }
0x40: {  	v4 =	vmax.f32 v4, v9;
	v9 =	vld [tilespmem:s2+$0x10]  }
0x41: {  	v4 =	vmax.f32 v4, v8;
	v8 =	vld [tilespmem:s2+$0x20]  }
0x42: {  	v5 =	vmax.f32 v4, v5;
	v4 =	vld [tilespmem:s2+$0x30]  }
0x43: {  	v6 =	vmax.f32 v5, v6;
	v5 =	vld [tilespmem:s2+$0x40]  }
0x44: {  	v7 =	vmax.f32 v6, v7;
	v6 =	vld [tilespmem:s2+$0x50]  }
0x45: {  	v9 =	vmax.f32 v7, v9;
	v7 =	vld [tilespmem:s2+$0x60]  }
0x46: {  	s6 =	sshll.u32 s0, $0x6;
	s7 =	simm.s32 $0x0;
	s8 =	sadd.s32 $0x100, s2;
	v9 =	vmax.f32 v9, v8;
	v8 =	vld [tilespmem:s2+$0x70]  }
.LBB2_4:
0x47: {  	v10 =	vld [tilespmem:s8+$0xFFFFFF80];
	s7 =	sadd.s32 $0x10, s7;
	v4 =	vmax.f32 v9, v4  }
0x48: {  	v9 =	vld [tilespmem:s8+$0xFFFFFF90];
	p0 =	slt.u32 s7, $0x30;
	v4 =	vmax.f32 v4, v5  }
0x49: {  	v5 =	vld [tilespmem:s8+$0xFFFFFFA0];
	v4 =	vmax.f32 v4, v6  }
0x4a: {  	v6 =	vld [tilespmem:s8+$0xFFFFFFB0];
	v4 =	vmax.f32 v4, v7  }
0x4b: {  	v7 =	vld [tilespmem:s8+$0xFFFFFFC0];
	v4 =	vmax.f32 v4, v8  }
0x4c: {  	v4 =	vmax.f32 v4, v10;
	v8 =	vld [tilespmem:s8+$0xFFFFFFD0]  }
0x4d: {  	v4 =	vmax.f32 v4, v9;
	v9 =	vld [tilespmem:s8+$0xFFFFFFE0]  }
0x4e: {  	v4 =	vmax.f32 v4, v5;
	v5 =	vld [tilespmem:s8+$0xFFFFFFF0]  }
0x4f: {  	v4 =	vmax.f32 v4, v6;
	v6 =	vld [tilespmem:s8+$0x0]  }
0x50: {  	v4 =	vmax.f32 v4, v7;
	v7 =	vld [tilespmem:s8+$0x10]  }
0x51: {  	v4 =	vmax.f32 v4, v8;
	v8 =	vld [tilespmem:s8+$0x20]  }
.Ltmp0:
0x52: {  	v9 =	vmax.f32 v4, v9;
	v4 =	vld [tilespmem:s8+$0x30];
	(pc) =	sbr.rel @p0 .LBB2_4-.Ltmp0, $4  }
0x53: {  	v9 =	vmax.f32 v9, v5;
	v5 =	vld [tilespmem:s8+$0x40]  }
0x54: {  	v9 =	vmax.f32 v9, v6;
	v6 =	vld [tilespmem:s8+$0x50]  }
0x55: {  	v9 =	vmax.f32 v9, v7;
	v7 =	vld [tilespmem:s8+$0x60]  }
0x56: {  	v9 =	vmax.f32 v9, v8;
	v8 =	vld [tilespmem:s8+$0x70];
	s8 =	sadd.s32 $0x100, s8  }
0x57: {  	s0 =	sadd.s32 $0x1, s0  }
0x58: {  	v4 =	vmax.f32 v9, v4;
	p0 =	sne.s32 s0, $0x30  }
.Ltmp1:
0x59: {  	v4 =	vmax.f32 v4, v5;
	(pc) =	sbr.rel @p0 .LBB2_3-.Ltmp1, $4  }
0x5a: {  	v4 =	vmax.f32 v4, v6  }
0x5b: {  	v4 =	vmax.f32 v4, v7  }
0x5c: {  	s6 =	sshrl.u32 s6, $0x2;
	v4 =	vmax.f32 v4, v8  }
0x5d: {  	s2 =	sadd.s32 $0x400, s2;
	[tilespmem:s6+$0x18800] =	vst v4  }
0x5e: {  	s0 =	simm.s32 $0x2  }
0x5f: {  	_ =	swait.ge [sflag:s0], $0xC6A0  }
0x60: {  	[sflag:s0] =	ssyncset.done $0x0  }
0x61: {  	s2 =	simm.s32 $0xC0F0;
	[sflag:s0] =	ssyncadd.s32 $0xFFFF3960;
	s0 =	simm.s32 $0x30  }
.LBB2_7:
0x62: {  	v4 =	vld [tilespmem:s2+$0xFFFFFF10]  }
0x63: {  	v5 =	vld [tilespmem:s2+$0xFFFFFF20]  }
0x64: {  	v6 =	vld [tilespmem:s2+$0xFFFFFF30]  }
0x65: {  	v7 =	vld [tilespmem:s2+$0xFFFFFF40]  }
0x66: {  	v8 =	vimm.f32 $-Inf;
	v9 =	vld [tilespmem:s2+$0xFFFFFF50]  }
0x67: {  	v4 =	vmax.f32 v8, v4;
	v8 =	vld [tilespmem:s2+$0xFFFFFF60]  }
0x68: {  	v4 =	vmax.f32 v4, v5;
	v5 =	vld [tilespmem:s2+$0xFFFFFF70]  }
0x69: {  	v4 =	vmax.f32 v4, v6;
	v6 =	vld [tilespmem:s2+$0xFFFFFF80]  }
0x6a: {  	v4 =	vmax.f32 v4, v7;
	v7 =	vld [tilespmem:s2+$0xFFFFFF90]  }
0x6b: {  	v4 =	vmax.f32 v4, v9;
	v9 =	vld [tilespmem:s2+$0xFFFFFFA0]  }
0x6c: {  	v4 =	vmax.f32 v4, v8;
	v8 =	vld [tilespmem:s2+$0xFFFFFFB0]  }
0x6d: {  	v5 =	vmax.f32 v4, v5;
	v4 =	vld [tilespmem:s2+$0xFFFFFFC0]  }
0x6e: {  	v6 =	vmax.f32 v5, v6;
	v5 =	vld [tilespmem:s2+$0xFFFFFFD0]  }
0x6f: {  	v7 =	vmax.f32 v6, v7;
	v6 =	vld [tilespmem:s2+$0xFFFFFFE0]  }
0x70: {  	v9 =	vmax.f32 v7, v9;
	v7 =	vld [tilespmem:s2+$0xFFFFFFF0]  }
0x71: {  	s6 =	sshll.u32 s0, $0x6;
	s7 =	simm.s32 $0x0;
	s8 =	sadd.s32 $0x100, s2;
	v9 =	vmax.f32 v9, v8;
	v8 =	vld [tilespmem:s2+$0x0]  }
.LBB2_8:
0x72: {  	v10 =	vld [tilespmem:s8+$0xFFFFFF10];
	s7 =	sadd.s32 $0x10, s7;
	v4 =	vmax.f32 v9, v4  }
0x73: {  	v9 =	vld [tilespmem:s8+$0xFFFFFF20];
	p0 =	slt.u32 s7, $0x30;
	v4 =	vmax.f32 v4, v5  }
0x74: {  	v5 =	vld [tilespmem:s8+$0xFFFFFF30];
	v4 =	vmax.f32 v4, v6  }
0x75: {  	v6 =	vld [tilespmem:s8+$0xFFFFFF40];
	v4 =	vmax.f32 v4, v7  }
0x76: {  	v7 =	vld [tilespmem:s8+$0xFFFFFF50];
	v4 =	vmax.f32 v4, v8  }
0x77: {  	v4 =	vmax.f32 v4, v10;
	v8 =	vld [tilespmem:s8+$0xFFFFFF60]  }
0x78: {  	v4 =	vmax.f32 v4, v9;
	v9 =	vld [tilespmem:s8+$0xFFFFFF70]  }
0x79: {  	v4 =	vmax.f32 v4, v5;
	v5 =	vld [tilespmem:s8+$0xFFFFFF80]  }
0x7a: {  	v4 =	vmax.f32 v4, v6;
	v6 =	vld [tilespmem:s8+$0xFFFFFF90]  }
0x7b: {  	v4 =	vmax.f32 v4, v7;
	v7 =	vld [tilespmem:s8+$0xFFFFFFA0]  }
0x7c: {  	v4 =	vmax.f32 v4, v8;
	v8 =	vld [tilespmem:s8+$0xFFFFFFB0]  }
.Ltmp2:
0x7d: {  	v9 =	vmax.f32 v4, v9;
	v4 =	vld [tilespmem:s8+$0xFFFFFFC0];
	(pc) =	sbr.rel @p0 .LBB2_8-.Ltmp2, $4  }
0x7e: {  	v9 =	vmax.f32 v9, v5;
	v5 =	vld [tilespmem:s8+$0xFFFFFFD0]  }
0x7f: {  	v9 =	vmax.f32 v9, v6;
	v6 =	vld [tilespmem:s8+$0xFFFFFFE0]  }
0x80: {  	v9 =	vmax.f32 v9, v7;
	v7 =	vld [tilespmem:s8+$0xFFFFFFF0]  }
0x81: {  	v9 =	vmax.f32 v9, v8;
	v8 =	vld [tilespmem:s8+$0x0];
	s8 =	sadd.s32 $0x100, s8  }
0x82: {  	s0 =	sadd.s32 $0x1, s0  }
0x83: {  	v4 =	vmax.f32 v9, v4;
	p0 =	sne.s32 s0, $0x62  }
.Ltmp3:
0x84: {  	v4 =	vmax.f32 v4, v5;
	(pc) =	sbr.rel @p0 .LBB2_7-.Ltmp3, $4  }
0x85: {  	v4 =	vmax.f32 v4, v6  }
0x86: {  	v4 =	vmax.f32 v4, v7  }
0x87: {  	s6 =	sshrl.u32 s6, $0x2;
	v4 =	vmax.f32 v4, v8  }
0x88: {  	s2 =	sadd.s32 $0x400, s2;
	[tilespmem:s6+$0x18800] =	vst v4  }
0x89: {  	s0 =	simm.s32 $0x18870;
	v4 =	vld [tilespmem:$0x18F90]  }
0x8a: {  	v5 =	vld [tilespmem:s0+$0xFFFFFFA0]  }
0x8b: {  	s22 =	simm.s32 $0x0;
	s6 =	simm.s32 $0x40;
	s2 =	simm.s32 $0x0;
	v6 =	vld [tilespmem:s0+$0xFFFFFF90]  }
.LBB2_11:
0x8c: {  	p0 =	sne.s32 s6, $0x180;
	v7 =	vld [tilespmem:s0+$0xFFFFFFB0]  }
0x8d: {  	v8 =	vld [tilespmem:s0+$0xFFFFFFC0]  }
0x8e: {  	v9 =	vld [tilespmem:s0+$0xFFFFFFD0]  }
0x8f: {  	v10 =	vld [tilespmem:s0+$0xFFFFFFE0]  }
0x90: {  	v5 =	vmax.f32 v6, v5;
	v6 =	vld [tilespmem:s0+$0xFFFFFFF0]  }
0x91: {  	v5 =	vmax.f32 v5, v7;
	v7 =	vld [tilespmem:s0+$0x0]  }
0x92: {  	v5 =	vmax.f32 v5, v8;
	v8 =	vld [tilespmem:s0+$0x10]  }
0x93: {  	v5 =	vmax.f32 v5, v9;
	v9 =	vld [tilespmem:s0+$0x20]  }
0x94: {  	v5 =	vmax.f32 v5, v10;
	v10 =	vld [tilespmem:s0+$0x30]  }
0x95: {  	v5 =	vmax.f32 v5, v6;
	v6 =	vld [tilespmem:s0+$0x40]  }
0x96: {  	v5 =	vmax.f32 v5, v7;
	v7 =	vld [tilespmem:s0+$0x50]  }
0x97: {  	v5 =	vmax.f32 v5, v8;
	v8 =	vld [tilespmem:s0+$0x60]  }
0x98: {  	v5 =	vmax.f32 v5, v9  }
0x99: {  	v5 =	vmax.f32 v5, v10  }
0x9a: {  	v5 =	vmax.f32 v5, v6  }
.Ltmp4:
0x9b: {  	v5 =	vmax.f32 v5, v7;
	(pc) =	sbr.rel @p0 .LBB2_11-.Ltmp4, $4  }
0x9c: {  	s7 =	sshra.s32 s2, $0x2;
	s2 =	smov.u32 s6;
	v5 =	vmax.f32 v5, v8  }
0x9d: {  	s0 =	sadd.s32 $0xE0, s0;
	[tilespmem:s7+$0x18E20] =	vst v5  }
0x9e: {  	v5 =	vld [tilespmem:s0+$0xFFFFFFA0]  }
0x9f: {  	s6 =	sadd.s32 $0x40, s6;
	v6 =	vld [tilespmem:s0+$0xFFFFFF90]  }
0xa0: {  	v7 =	vld [tilespmem:s0+$0xFFFFFFB0]  }
0xa1: {  	v8 =	vld [tilespmem:s0+$0xFFFFFFC0]  }
0xa2: {  	v9 =	vld [tilespmem:s0+$0xFFFFFFD0]  }
0xa3: {  	v10 =	vld [tilespmem:s0+$0xFFFFFFE0]  }
0xa4: {  	v5 =	vmax.f32 v6, v5;
	v6 =	vld [tilespmem:s0+$0xFFFFFFF0]  }
0xa5: {  	v5 =	vmax.f32 v5, v7;
	v7 =	vld [tilespmem:s0+$0x0]  }
0xa6: {  	v5 =	vmax.f32 v5, v8;
	v8 =	vld [tilespmem:s0+$0x10]  }
0xa7: {  	v62 =	vld [tilespmem:s0+$0x20];
	v5 =	vmax.f32 v5, v9  }
0xa8: {  	v63 =	vld [tilespmem:s0+$0x30];
	v5 =	vmax.f32 v5, v10  }
0xa9: {  	v5 =	vmax.f32 v5, v6;
	v6 =	vld [tilespmem:s0+$0x40]  }
0xaa: {  	v5 =	vmax.f32 v5, v7;
	v7 =	vld [tilespmem:s0+$0x50]  }
0xab: {  	v5 =	vmax.f32 v5, v8;
	v8 =	vld [tilespmem:s0+$0x60]  }
0xac: {  	v5 =	vmax.f32 v5, v62  }
0xad: {  	v5 =	vmax.f32 v5, v63  }
0xae: {  	v5 =	vmax.f32 v5, v6  }
0xaf: {  	v5 =	vmax.f32 v5, v7  }
0xb0: {  	s31 =	sshra.s32 s2, $0x2;
	v5 =	vmax.f32 v5, v8  }
0xb1: {  	v6 =	vimm.f32 $-Inf;
	[tilespmem:s31+$0x18E20] =	vst v5;
	v5 =	vimm.s32 $0x0  }
.LBB2_13:
0xb2: {  	v7 =	vld [tilespmem:$0x18E20];
	_ =	sdelay $0x1  }
0xb3: {  	v8 =	vld [tilespmem:$0x18E30];
	_ =	sdelay $0x1  }
0xb4: {  	v9 =	vld [tilespmem:$0x18E40]  }
0xb5: {  	vm0 =	vgt.f32 v7, $-Inf  }
0xb6: {  	v10 =	vld [tilespmem:$0x18E50];
	v7 =	vnsel vm0, $0xFF800000, v7  }
0xb7: {  	vm0 =	vgt.f32 v8, v7  }
0xb8: {  	v7 =	vsel vm0, v8, v7;
	v8 =	vld [tilespmem:$0x18E60]  }
0xb9: {  	vm1 =	vgt.f32 v9, v7  }
0xba: {  	v7 =	vsel vm1, v9, v7;
	v9 =	vld [tilespmem:$0x18E70]  }
0xbb: {  	vm2 =	vgt.f32 v10, v7  }
0xbc: {  	v7 =	vsel vm2, v10, v7;
	v10 =	vld [tilespmem:$0x18E80]  }
0xbd: {  	vm3 =	vgt.f32 v8, v7  }
0xbe: {  	v7 =	vsel vm3, v8, v7  }
0xbf: {  	vm4 =	vgt.f32 v9, v7  }
0xc0: {  	v7 =	vsel vm4, v9, v7  }
0xc1: {  	vm5 =	vgt.f32 v10, v7  }
0xc2: {  	v8 =	vsel vm5, v10, v7  }
0xc3: {  	(xrf0) =	vmax.scan.msk.f32 $0xffff, v8;
	_ =	sdelay $0x2  }
0xc4: {  	v7 =	vsel vm0, $0x1, v1  }
0xc5: {  	v7 =	vor.u32 $0x80000000, v7  }
0xc6: {  	v7 =	vsel vm1, $0x80000002, v7  }
0xc7: {  	v10 =	vsel vm2, $0x80000003, v7;
	v9, _, _ =	vpop (xrf0)  }
0xc8: {  	v7 =	vbroadcast v9, $0xF;
	v9 =	vsel vm3, $0x80000004, v10  }
0xc9: {  	v9 =	vsel vm4, $0x80000005, v9  }
0xca: {  	vm0 =	veq.f32 v8, v7;
	v8 =	vsel vm5, $0x80000006, v9  }
0xcb: {  	v8 =	vnsel vm0, $0xC0000000, v8  }
0xcc: {  	(xrf0) =	vmin.scan.msk.u32 $0xffff, v8;
	_ =	sdelay $0x5  }
0xcd: {  	v8, _, _ =	vpop (xrf0)  }
0xce: {  	(v2sf) =	vpush v8, $0xF;
	_ =	sdelay $0xe  }
0xcf: {  	s23 =	spop (v2sf)  }
0xd0: {  	s0 =	sxor.u32 $0x80000000, s23  }
0xd1: {  	s2 =	smul.u32 $0x380, s0  }
0xd2: {  	s6 =	smul.u32 $0xE, s0  }
0xd3: {  	s24 =	sshra.s32 s2, $0x2  }
0xd4: {  	s7 =	sor.u32 $0x1, s6;
	v8 =	vld [tilespmem:s24+$0x18800]  }
0xd5: {  	s9 =	sshll.u32 s7, $0x6  }
0xd6: {  	s8 =	sadd.s32 $0x2, s6;
	s25 =	sshra.s32 s9, $0x2  }
0xd7: {  	s10 =	sshll.u32 s8, $0x6;
	v9 =	vld [tilespmem:s25+$0x18800]  }
0xd8: {  	s26 =	sshra.s32 s10, $0x2;
	s9 =	sadd.s32 $0x3, s6  }
0xd9: {  	v10 =	vld [tilespmem:s26+$0x18800];
	s11 =	sshll.u32 s9, $0x6;
	vm0 =	vlt.f32 v8, $-Inf;
	vm1 =	vgt.f32 v8, $-Inf  }
0xda: {  	s10 =	sadd.s32 $0x4, s6;
	s28 =	sshra.s32 s11, $0x2;
	vm0 =	vmor vm1, vm0  }
0xdb: {  	s13 =	sshll.u32 s10, $0x6;
	v11 =	vld [tilespmem:s28+$0x18800];
	v8 =	vnsel vm0, $0xFF800000, v8  }
0xdc: {  	s29 =	sshra.s32 s13, $0x2;
	s11 =	sadd.s32 $0x5, s6;
	vm1 =	vgt.f32 v9, v8  }
0xdd: {  	s14 =	sshll.u32 s11, $0x6;
	v8 =	vsel vm1, v9, v8;
	v9 =	vld [tilespmem:s29+$0x18800]  }
0xde: {  	s20 =	sadd.s32 $0x6, s6;
	s30 =	sshra.s32 s14, $0x2;
	vm2 =	vgt.f32 v10, v8  }
0xdf: {  	s16 =	sshll.u32 s20, $0x6;
	v8 =	vsel vm2, v10, v8;
	v10 =	vld [tilespmem:s30+$0x18800]  }
0xe0: {  	s3 =	sadd.s32 $0x7, s6;
	s31 =	sshra.s32 s16, $0x2;
	vm3 =	vgt.f32 v11, v8  }
0xe1: {  	s17 =	sshll.u32 s3, $0x6;
	v8 =	vsel vm3, v11, v8;
	v11 =	vld [tilespmem:s31+$0x18800]  }
0xe2: {  	s4 =	sadd.s32 $0x8, s6;
	s0 =	sshra.s32 s17, $0x2;
	vm14 =	vgt.f32 v9, v8  }
0xe3: {  	s18 =	sshll.u32 s4, $0x6;
	v8 =	vsel vm14, v9, v8;
	v9 =	vld [tilespmem:s0+$0x18800]  }
0xe4: {  	s5 =	sadd.s32 $0x9, s6;
	s2 =	sshra.s32 s18, $0x2;
	vm15 =	vgt.f32 v10, v8  }
0xe5: {  	s16 =	sshll.u32 s5, $0x6;
	v8 =	vsel vm15, v10, v8;
	v10 =	vld [tilespmem:s2+$0x18800]  }
0xe6: {  	s16 =	sshra.s32 s16, $0x2;
	s13 =	sadd.s32 $0xA, s6;
	vm6 =	vgt.f32 v11, v8  }
0xe7: {  	v12 =	vmov s6;
	s17 =	sshll.u32 s13, $0x6;
	v8 =	vsel vm6, v11, v8;
	v11 =	vld [tilespmem:s16+$0x18800]  }
0xe8: {  	s17 =	sshra.s32 s17, $0x2;
	s14 =	sadd.s32 $0xB, s6;
	v12 =	vnsel vm0, $0x0, v12;
	vm0 =	vgt.f32 v9, v8  }
0xe9: {  	s19 =	sshll.u32 s14, $0x6;
	v12 =	vsel vm1, s7, v12;
	v8 =	vsel vm0, v9, v8;
	v9 =	vld [tilespmem:s17+$0x18800]  }
0xea: {  	s18 =	sshra.s32 s19, $0x2;
	s7 =	sadd.s32 $0xC, s6;
	v12 =	vsel vm2, s8, v12;
	vm1 =	vgt.f32 v10, v8  }
0xeb: {  	v12 =	vsel vm3, s9, v12;
	s9 =	sshll.u32 s7, $0x6;
	v8 =	vsel vm1, v10, v8;
	v10 =	vld [tilespmem:s18+$0x18800]  }
0xec: {  	s19 =	sshra.s32 s9, $0x2;
	v12 =	vsel vm14, s10, v12;
	s10 =	sadd.s32 $0xD, s6;
	vm2 =	vgt.f32 v11, v8  }
0xed: {  	s6 =	sshll.u32 s10, $0x6;
	v12 =	vsel vm15, s11, v12;
	v8 =	vsel vm2, v11, v8;
	v11 =	vld [tilespmem:s19+$0x18800]  }
0xee: {  	s6 =	sshra.s32 s6, $0x2;
	v12 =	vsel vm6, s20, v12;
	vm3 =	vgt.f32 v9, v8  }
0xef: {  	v12 =	vsel vm0, s3, v12;
	v8 =	vsel vm3, v9, v8;
	v9 =	vld [tilespmem:s6+$0x18800]  }
0xf0: {  	v12 =	vsel vm1, s4, v12;
	vm0 =	vgt.f32 v10, v8  }
0xf1: {  	v12 =	vsel vm2, s5, v12;
	v8 =	vsel vm0, v10, v8  }
0xf2: {  	v10 =	vsel vm3, s13, v12;
	vm1 =	vgt.f32 v11, v8  }
0xf3: {  	v10 =	vsel vm0, s14, v10;
	v8 =	vsel vm1, v11, v8  }
0xf4: {  	v10 =	vsel vm1, s7, v10;
	vm0 =	vgt.f32 v9, v8  }
0xf5: {  	v8 =	vsel vm0, v9, v8;
	v9 =	vsel vm0, s10, v10  }
0xf6: {  	vm0 =	veq.f32 v8, v7;
	v8 =	vxor.u32 $0x80000000, v9  }
0xf7: {  	v8 =	vnsel vm0, $0xC0000000, v8  }
0xf8: {  	(xrf0) =	vmin.scan.msk.u32 $0xffff, v8;
	_ =	sdelay $0x5  }
0xf9: {  	v8, _, _ =	vpop (xrf0)  }
0xfa: {  	(v2sf) =	vpush v8, $0xF;
	_ =	sdelay $0xe  }
0xfb: {  	s7 =	spop (v2sf)  }
0xfc: {  	s8 =	sshll.u32 s7, $0xC  }
0xfd: {  	s3 =	sshra.s32 s8, $0x2  }
0xfe: {  	s3 =	sor.u32 $0x40, s3  }
0xff: {  	v8 =	vld [tilespmem:s3+$0xFFFFFFC0];
	_ =	sdelay $0x1  }
0x100: {  	v10 =	vld [tilespmem:s3+$0xFFFFFFD0]  }
0x101: {  	s9 =	sxor.u32 $0x80000000, s7;
	s8 =	sshll.u32 s7, $0xA  }
0x102: {  	vm1 =	veq.s32 v9, s9;
	s9 =	sor.u32 $0x70, s8;
	v9 =	vld [tilespmem:s3+$0xFFFFFFE0]  }
0x103: {  	vm0 =	vmand vm0, vm1;
	s10 =	sadd.s32 $0xFFFFFF90, s9;
	vm1 =	veq.f32 v8, v7  }
0x104: {  	v8 =	vor.u32 s10, v2;
	vm1 =	vmand vm0, vm1  }
0x105: {  	v61 =	vimm.s32 $0x40000000;
	v11 =	vld [tilespmem:s3+$0xFFFFFFF0];
	s11 =	sadd.s32 $0xFFFFFFA0, s9;
	v8 =	vnsel vm1, $0x40000000, v8;
	vm1 =	veq.f32 v10, v7  }
0x106: {  	v10 =	vor.u32 s11, v2;
	vm2 =	vlt.s32 v61, v8;
	vm1 =	vmand vm0, vm1  }
0x107: {  	v13 =	vld [tilespmem:s3+$0x0];
	s13 =	sadd.s32 $0xFFFFFFB0, s9;
	v8 =	vsel vm2, v61, v8;
	v10 =	vnsel vm1, $0x40000000, v10;
	vm1 =	veq.f32 v9, v7  }
0x108: {  	v9 =	vor.u32 s13, v2;
	vm2 =	vlt.s32 v8, v10;
	vm1 =	vmand vm0, vm1  }
0x109: {  	v62 =	vld [tilespmem:s3+$0x10];
	v8 =	vsel vm2, v8, v10;
	v9 =	vnsel vm1, $0x40000000, v9  }
0x10a: {  	s14 =	sadd.s32 $0xFFFFFFC0, s9;
	vm1 =	veq.f32 v11, v7;
	vm2 =	vlt.s32 v8, v9  }
0x10b: {  	v10 =	vor.u32 s14, v2;
	vm1 =	vmand vm0, vm1;
	v11 =	vsel vm2, v8, v9;
	v8 =	vld [tilespmem:s3+$0x20]  }
0x10c: {  	s20 =	sadd.s32 $0xFFFFFFD0, s9;
	v10 =	vnsel vm1, $0x40000000, v10;
	vm1 =	veq.f32 v13, v7  }
0x10d: {  	v63 =	vor.u32 s20, v2;
	v9 =	vld [tilespmem:s3+$0x30];
	vm2 =	vlt.s32 v11, v10;
	vm1 =	vmand vm0, vm1  }
0x10e: {  	s20 =	simm.s32 $0x0;
	s10 =	sadd.s32 $0x80, s3;
	s11 =	sadd.s32 $0xFFFFFFE0, s9;
	v10 =	vsel vm2, v11, v10;
	v11 =	vnsel vm1, $0x40000000, v63;
	vm1 =	veq.f32 v62, v7  }
.LBB2_14:
0x10f: {  	v12 =	vld [tilespmem:s10+$0xFFFFFFC0];
	s20 =	sadd.s32 $0x8, s20;
	vm2 =	vlt.s32 v10, v11;
	vm1 =	vmand vm0, vm1;
	v13 =	vor.u32 s11, v2  }
0x110: {  	s3 =	sadd.s32 $0xFFFFFFF0, s9;
	p0 =	slt.u32 s20, $0x38;
	v10 =	vsel vm2, v10, v11;
	v11 =	vnsel vm1, $0x40000000, v13;
	vm1 =	veq.f32 v8, v7  }
0x111: {  	v13 =	vor.u32 s3, v2;
	v8 =	vld [tilespmem:s10+$0xFFFFFFD0];
	vm2 =	vlt.s32 v10, v11;
	vm1 =	vmand vm0, vm1  }
0x112: {  	v10 =	vsel vm2, v10, v11;
	v11 =	vnsel vm1, $0x40000000, v13;
	vm1 =	veq.f32 v9, v7  }
0x113: {  	v13 =	vor.u32 s9, v2;
	s9 =	sadd.s32 $0x80, s9;
	v9 =	vld [tilespmem:s10+$0xFFFFFFE0];
	vm2 =	vlt.s32 v10, v11;
	vm1 =	vmand vm0, vm1  }
0x114: {  	s3 =	sadd.s32 $0xFFFFFF90, s9;
	vm3 =	veq.f32 v12, v7;
	v10 =	vsel vm2, v10, v11;
	v11 =	vnsel vm1, $0x40000000, v13  }
0x115: {  	v12 =	vor.u32 s3, v2;
	vm1 =	vmand vm0, vm3;
	v13 =	vld [tilespmem:s10+$0xFFFFFFF0];
	vm2 =	vlt.s32 v10, v11  }
0x116: {  	s3 =	sadd.s32 $0xFFFFFFA0, s9;
	v12 =	vnsel vm1, $0x40000000, v12;
	vm1 =	veq.f32 v8, v7;
	v8 =	vsel vm2, v10, v11  }
0x117: {  	v10 =	vor.u32 s3, v2;
	vm2 =	vlt.s32 v8, v12;
	vm1 =	vmand vm0, vm1;
	v11 =	vld [tilespmem:s10+$0x0]  }
0x118: {  	s3 =	sadd.s32 $0xFFFFFFB0, s9;
	v8 =	vsel vm2, v8, v12;
	v10 =	vnsel vm1, $0x40000000, v10;
	vm1 =	veq.f32 v9, v7  }
0x119: {  	v9 =	vor.u32 s3, v2;
	vm2 =	vlt.s32 v8, v10;
	vm1 =	vmand vm0, vm1;
	v12 =	vld [tilespmem:s10+$0x10]  }
.Ltmp5:
0x11a: {  	s3 =	sadd.s32 $0xFFFFFFC0, s9;
	v10 =	vsel vm2, v8, v10;
	v9 =	vnsel vm1, $0x40000000, v9;
	vm1 =	veq.f32 v13, v7;
	(pc) =	sbr.rel @p0 .LBB2_14-.Ltmp5, $4  }
0x11b: {  	v13 =	vor.u32 s3, v2;
	vm2 =	vlt.s32 v10, v9;
	vm1 =	vmand vm0, vm1;
	v8 =	vld [tilespmem:s10+$0x20]  }
0x11c: {  	s3 =	sadd.s32 $0xFFFFFFD0, s9;
	v10 =	vsel vm2, v10, v9;
	v13 =	vnsel vm1, $0x40000000, v13;
	vm1 =	veq.f32 v11, v7  }
0x11d: {  	v11 =	vor.u32 s3, v2;
	vm2 =	vlt.s32 v10, v13;
	vm1 =	vmand vm0, vm1;
	v9 =	vld [tilespmem:s10+$0x30]  }
0x11e: {  	s11 =	sadd.s32 $0xFFFFFFE0, s9;
	s10 =	sadd.s32 $0x80, s10;
	v10 =	vsel vm2, v10, v13;
	v11 =	vnsel vm1, $0x40000000, v11;
	vm1 =	veq.f32 v12, v7  }
0x11f: {  	vm2 =	vlt.s32 v10, v11;
	vm1 =	vmand vm0, vm1;
	v12 =	vor.u32 s11, v2  }
0x120: {  	s3 =	sadd.s32 $0xFFFFFFF0, s9;
	v10 =	vsel vm2, v10, v11;
	v34 =	vnsel vm1, $0x40000000, v12;
	vm12 =	veq.f32 v8, v7  }
0x121: {  	v8 =	vor.u32 s3, v2;
	vm2 =	vlt.s32 v10, v34;
	vm1 =	vmand vm0, vm12  }
0x122: {  	v10 =	vsel vm2, v10, v34;
	v8 =	vnsel vm1, $0x40000000, v8;
	vm13 =	veq.f32 v9, v7  }
0x123: {  	v35 =	vor.u32 s9, v2;
	vm2 =	vlt.s32 v10, v8;
	vm14 =	vmand vm0, vm13  }
0x124: {  	v8 =	vsel vm2, v10, v8;
	v9 =	vnsel vm14, $0x40000000, v35  }
0x125: {  	vm0 =	vlt.s32 v8, v9  }
0x126: {  	v8 =	vsel vm0, v8, v9  }
0x127: {  	v8 =	vxor.u32 $0x80000000, v8  }
0x128: {  	(xrf0) =	vmin.scan.msk.u32 $0xffff, v8;
	_ =	sdelay $0x5  }
0x129: {  	v8, _, _ =	vpop (xrf0)  }
0x12a: {  	(v2sf) =	vpush v8, $0xF;
	_ =	sdelay $0xe  }
0x12b: {  	s13 =	spop (v2sf)  }
0x12c: {  	s14 =	sxor.u32 $0x80000000, s13  }
0x12d: {  	v8 =	vmov s14;
	_ =	sdelay $0x4  }
0x12e: {  	[tilespmem:v8+s1+$0x0] =	vst.idx.msk $0x1, v0  }
0x12f: {  	v8 =	vld [tilespmem:s8+$0x0]  }
0x130: {  	v36 =	vld [tilespmem:s8+$0x10]  }
0x131: {  	v37 =	vld [tilespmem:s8+$0x20]  }
0x132: {  	v38 =	vld [tilespmem:s8+$0x30]  }
0x133: {  	v39 =	vld [tilespmem:s8+$0x40]  }
0x134: {  	v13 =	vld [tilespmem:s8+$0x50]  }
0x135: {  	v40 =	vld [tilespmem:s8+$0x60];
	v8 =	vmax.f32 v8, v36  }
0x136: {  	v41 =	vld [tilespmem:s8+$0x70];
	v8 =	vmax.f32 v8, v37  }
0x137: {  	v42 =	vld [tilespmem:s8+$0x80];
	v8 =	vmax.f32 v8, v38  }
0x138: {  	v43 =	vld [tilespmem:s8+$0x90];
	v8 =	vmax.f32 v8, v39  }
0x139: {  	v44 =	vld [tilespmem:s8+$0xA0];
	v8 =	vmax.f32 v8, v13  }
0x13a: {  	v45 =	vld [tilespmem:s8+$0xB0];
	v8 =	vmax.f32 v8, v40  }
0x13b: {  	v46 =	vld [tilespmem:s8+$0xC0];
	v8 =	vmax.f32 v8, v41  }
0x13c: {  	v47 =	vld [tilespmem:s8+$0xD0];
	v8 =	vmax.f32 v8, v42  }
0x13d: {  	v48 =	vld [tilespmem:s8+$0xE0];
	v8 =	vmax.f32 v8, v43  }
0x13e: {  	v49 =	vld [tilespmem:s8+$0xF0];
	v8 =	vmax.f32 v8, v44  }
0x13f: {  	v50 =	vld [tilespmem:s8+$0x100];
	v8 =	vmax.f32 v8, v45  }
0x140: {  	v51 =	vld [tilespmem:s8+$0x110];
	v8 =	vmax.f32 v8, v46  }
0x141: {  	v52 =	vld [tilespmem:s8+$0x120];
	v8 =	vmax.f32 v8, v47  }
0x142: {  	v53 =	vld [tilespmem:s8+$0x130];
	v8 =	vmax.f32 v8, v48  }
0x143: {  	v54 =	vld [tilespmem:s8+$0x140];
	v8 =	vmax.f32 v8, v49  }
0x144: {  	v55 =	vld [tilespmem:s8+$0x150];
	v8 =	vmax.f32 v8, v50  }
0x145: {  	v56 =	vld [tilespmem:s8+$0x160];
	v8 =	vmax.f32 v8, v51  }
0x146: {  	v57 =	vld [tilespmem:s8+$0x170];
	v8 =	vmax.f32 v8, v52  }
0x147: {  	v58 =	vld [tilespmem:s8+$0x180];
	v8 =	vmax.f32 v8, v53  }
0x148: {  	v59 =	vld [tilespmem:s8+$0x190];
	v8 =	vmax.f32 v8, v54  }
0x149: {  	v60 =	vld [tilespmem:s8+$0x1A0];
	v8 =	vmax.f32 v8, v55  }
0x14a: {  	v61 =	vld [tilespmem:s8+$0x1B0];
	v8 =	vmax.f32 v8, v56  }
0x14b: {  	v62 =	vld [tilespmem:s8+$0x1C0];
	v8 =	vmax.f32 v8, v57  }
0x14c: {  	v63 =	vld [tilespmem:s8+$0x1D0];
	v8 =	vmax.f32 v8, v58  }
0x14d: {  	v16 =	vld [tilespmem:s8+$0x1E0];
	v8 =	vmax.f32 v8, v59  }
0x14e: {  	v17 =	vld [tilespmem:s8+$0x1F0];
	v8 =	vmax.f32 v8, v60  }
0x14f: {  	v18 =	vld [tilespmem:s8+$0x200];
	v8 =	vmax.f32 v8, v61  }
0x150: {  	v19 =	vld [tilespmem:s8+$0x210];
	v8 =	vmax.f32 v8, v62  }
0x151: {  	v20 =	vld [tilespmem:s8+$0x220];
	v8 =	vmax.f32 v8, v63  }
0x152: {  	v21 =	vld [tilespmem:s8+$0x230];
	v8 =	vmax.f32 v8, v16  }
0x153: {  	v22 =	vld [tilespmem:s8+$0x240];
	v8 =	vmax.f32 v8, v17  }
0x154: {  	v23 =	vld [tilespmem:s8+$0x250];
	v8 =	vmax.f32 v8, v18  }
0x155: {  	v24 =	vld [tilespmem:s8+$0x260];
	v8 =	vmax.f32 v8, v19  }
0x156: {  	v25 =	vld [tilespmem:s8+$0x270];
	v8 =	vmax.f32 v8, v20  }
0x157: {  	v26 =	vld [tilespmem:s8+$0x280];
	v8 =	vmax.f32 v8, v21  }
0x158: {  	v27 =	vld [tilespmem:s8+$0x290];
	v8 =	vmax.f32 v8, v22  }
0x159: {  	v28 =	vld [tilespmem:s8+$0x2A0];
	v8 =	vmax.f32 v8, v23  }
0x15a: {  	v29 =	vld [tilespmem:s8+$0x2B0];
	v8 =	vmax.f32 v8, v24  }
0x15b: {  	v30 =	vld [tilespmem:s8+$0x2C0];
	v8 =	vmax.f32 v8, v25  }
0x15c: {  	v31 =	vld [tilespmem:s8+$0x2D0];
	v8 =	vmax.f32 v8, v26  }
0x15d: {  	v32 =	vld [tilespmem:s8+$0x2E0];
	v8 =	vmax.f32 v8, v27  }
0x15e: {  	v33 =	vld [tilespmem:s8+$0x2F0];
	v8 =	vmax.f32 v8, v28  }
0x15f: {  	v34 =	vld [tilespmem:s8+$0x300];
	v8 =	vmax.f32 v8, v29  }
0x160: {  	v35 =	vld [tilespmem:s8+$0x310];
	v8 =	vmax.f32 v8, v30  }
0x161: {  	v36 =	vld [tilespmem:s8+$0x320];
	v8 =	vmax.f32 v8, v31  }
0x162: {  	v37 =	vld [tilespmem:s8+$0x330];
	v8 =	vmax.f32 v8, v32  }
0x163: {  	v38 =	vld [tilespmem:s8+$0x340];
	v8 =	vmax.f32 v8, v33  }
0x164: {  	v39 =	vld [tilespmem:s8+$0x350];
	v8 =	vmax.f32 v8, v34  }
0x165: {  	v40 =	vld [tilespmem:s8+$0x360];
	v8 =	vmax.f32 v8, v35  }
0x166: {  	v41 =	vld [tilespmem:s8+$0x370];
	v8 =	vmax.f32 v8, v36  }
0x167: {  	v42 =	vld [tilespmem:s8+$0x380];
	v8 =	vmax.f32 v8, v37  }
0x168: {  	v43 =	vld [tilespmem:s8+$0x390];
	v8 =	vmax.f32 v8, v38  }
0x169: {  	v44 =	vld [tilespmem:s8+$0x3A0];
	v8 =	vmax.f32 v8, v39  }
0x16a: {  	v45 =	vld [tilespmem:s8+$0x3B0];
	v8 =	vmax.f32 v8, v40  }
0x16b: {  	v46 =	vld [tilespmem:s8+$0x3C0];
	v8 =	vmax.f32 v8, v41  }
0x16c: {  	v47 =	vld [tilespmem:s8+$0x3D0];
	v8 =	vmax.f32 v8, v42  }
0x16d: {  	v48 =	vld [tilespmem:s8+$0x3E0];
	v8 =	vmax.f32 v8, v43  }
0x16e: {  	v49 =	vld [tilespmem:s8+$0x3F0];
	v8 =	vmax.f32 v8, v44  }
0x16f: {  	v8 =	vmax.f32 v8, v45  }
0x170: {  	v8 =	vmax.f32 v8, v46  }
0x171: {  	v8 =	vmax.f32 v8, v47  }
0x172: {  	s20 =	sshll.u32 s7, $0x6;
	v8 =	vmax.f32 v8, v48  }
0x173: {  	s3 =	sshra.s32 s20, $0x2;
	v8 =	vmax.f32 v8, v49  }
0x174: {  	[tilespmem:s3+$0x18800] =	vst v8  }
0x175: {  	v8 =	vld [tilespmem:s24+$0x18800]  }
0x176: {  	v50 =	vld [tilespmem:s25+$0x18800]  }
0x177: {  	v51 =	vld [tilespmem:s26+$0x18800]  }
0x178: {  	v52 =	vld [tilespmem:s28+$0x18800]  }
0x179: {  	v53 =	vld [tilespmem:s29+$0x18800]  }
0x17a: {  	v54 =	vld [tilespmem:s30+$0x18800]  }
0x17b: {  	v55 =	vld [tilespmem:s31+$0x18800];
	v8 =	vmax.f32 v8, v50  }
0x17c: {  	v56 =	vld [tilespmem:s0+$0x18800];
	v8 =	vmax.f32 v8, v51  }
0x17d: {  	v57 =	vld [tilespmem:s2+$0x18800];
	v8 =	vmax.f32 v8, v52  }
0x17e: {  	v58 =	vld [tilespmem:s16+$0x18800];
	v8 =	vmax.f32 v8, v53  }
0x17f: {  	v59 =	vld [tilespmem:s17+$0x18800];
	v8 =	vmax.f32 v8, v54  }
0x180: {  	v60 =	vld [tilespmem:s18+$0x18800];
	v8 =	vmax.f32 v8, v55  }
0x181: {  	v61 =	vld [tilespmem:s19+$0x18800];
	v8 =	vmax.f32 v8, v56  }
0x182: {  	v63 =	vmov s22;
	s22 =	sadd.s32 $0x1, s22;
	v62 =	vld [tilespmem:s6+$0x18800];
	v8 =	vmax.f32 v8, v57  }
0x183: {  	p0 =	sne.s32 s22, $0x10;
	v8 =	vmax.f32 v8, v58  }
.Ltmp6:
0x184: {  	v8 =	vmax.f32 v8, v59;
	(pc) =	sbr.rel @p0 .LBB2_13-.Ltmp6, $4  }
0x185: {  	v8 =	vmax.f32 v8, v60  }
0x186: {  	s31 =	sshll.u32 s23, $0x6;
	v8 =	vmax.f32 v8, v61  }
0x187: {  	vm15 =	veq.s32 v63, v2;
	s0 =	sshra.s32 s31, $0x2;
	v8 =	vmax.f32 v8, v62  }
0x188: {  	v6 =	vsel vm15, v7, v6;
	v5 =	vsel vm15, s14, v5;
	[tilespmem:s0+$0x18E20] =	vst v8  }
0x189: {  	s0 =	sshll.u32 s21, $0x4;
	s21 =	sadd.s32 $0x1, s21  }
0x18a: {  	p0 =	sne.s32 s21, $0x8  }
.Ltmp7:
0x18b: {  	v4 =	vadd.f32 v6, v4;
	(pc) =	sbr.rel @p0 .LBB2_2-.Ltmp7, $4  }
0x18c: {  	_ = 	snop  }
0x18d: {  	v4 =	vadd.f32 v3, v4  }
0x18e: {  	[tilespmem:s0+$0x18F10] =	vst v5  }
0x18f: {  	[tilespmem:s0+$0x18E90] =	vst v4  }
0x190: {  	s0 =	simm.s32 $0x0;
	v4 =	vimm.f32 $-Inf;
	v5 =	vimm.s32 $0x0;
	v14 =	vld [tilespmem:$0x18E90];
	s2 =	simm.s32 $0x1  }
.LBB2_18:
0x191: {  	p0 =	sne.s32 s2, $0xF;
	_ =	sdelay $0x1  }
0x192: {  	v6 =	vld [tilespmem:$0x18EA0];
	_ =	sdelay $0x1  }
0x193: {  	vm0 =	vlt.f32 v14, $-Inf;
	vm1 =	vgt.f32 v14, $-Inf;
	v7 =	vld [tilespmem:$0x18EB0]  }
0x194: {  	vm0 =	vmor vm1, vm0  }
0x195: {  	v8 =	vnsel vm0, $0xFF800000, v14;
	v9 =	vld [tilespmem:$0x18EC0]  }
0x196: {  	vm1 =	vgt.f32 v6, v8  }
0x197: {  	v6 =	vsel vm1, v6, v8;
	v8 =	vld [tilespmem:$0x18ED0]  }
0x198: {  	vm2 =	vgt.f32 v7, v6  }
0x199: {  	v6 =	vsel vm2, v7, v6;
	v7 =	vld [tilespmem:$0x18EE0]  }
0x19a: {  	vm3 =	vgt.f32 v9, v6  }
0x19b: {  	v6 =	vsel vm3, v9, v6;
	v9 =	vld [tilespmem:$0x18EF0]  }
0x19c: {  	vm7 =	vgt.f32 v8, v6  }
0x19d: {  	v6 =	vsel vm7, v8, v6;
	v8 =	vld [tilespmem:$0x18F00]  }
0x19e: {  	vm4 =	vgt.f32 v7, v6  }
0x19f: {  	v6 =	vsel vm4, v7, v6  }
0x1a0: {  	vm6 =	vgt.f32 v9, v6  }
0x1a1: {  	v6 =	vsel vm6, v9, v6  }
0x1a2: {  	vm5 =	vgt.f32 v8, v6  }
0x1a3: {  	v14 =	vsel vm5, v8, v6  }
0x1a4: {  	(xrf0) =	vmax.scan.msk.f32 $0xffff, v14  }
0x1a5: {  	v6 =	vor.u32 $0x80000000, v2  }
0x1a6: {  	v7 =	vor.u32 $0x80000010, v2;
	v8 =	vnsel vm0, $0x80000000, v6  }
0x1a7: {  	v9 =	vsel vm1, v7, v8;
	v8 =	vor.u32 $0x80000020, v2  }
0x1a8: {  	v10 =	vsel vm2, v8, v9;
	v9 =	vor.u32 $0x80000030, v2  }
0x1a9: {  	v11 =	vsel vm3, v9, v10;
	v10 =	vor.u32 $0x80000040, v2  }
0x1aa: {  	v15 =	vmov s0;
	s0 =	smov.u32 s2;
	v12 =	vsel vm7, v10, v11;
	v11 =	vor.u32 $0x80000050, v2;
	v13, _, _ =	vpop (xrf0)  }
0x1ab: {  	v16 =	vbroadcast v13, $0xF;
	v13 =	vsel vm4, v11, v12;
	v12 =	vor.u32 $0x80000060, v2  }
0x1ac: {  	vm0 =	veq.s32 v15, v2;
	v17 =	vsel vm6, v12, v13;
	v13 =	vor.u32 $0x80000070, v2  }
0x1ad: {  	vm1 =	veq.f32 v14, v16;
	v14 =	vsel vm5, v13, v17;
	v4 =	vsel vm0, v16, v4  }
0x1ae: {  	v14 =	vnsel vm1, $0xC0000000, v14  }
0x1af: {  	(xrf0) =	vmin.scan.msk.u32 $0xffff, v14;
	_ =	sdelay $0x5  }
0x1b0: {  	v14, _, _ =	vpop (xrf0)  }
0x1b1: {  	(v2sf) =	vpush v14, $0xF;
	_ =	sdelay $0xe  }
0x1b2: {  	s3 =	spop (v2sf)  }
0x1b3: {  	s3 =	sxor.u32 $0x80000000, s3  }
0x1b4: {  	v14 =	vmov s3;
	v5 =	vsel vm0, s3, v5;
	_ =	sdelay $0x1  }
.Ltmp8:
0x1b5: {  	(pc) =	sbr.rel @p0 .LBB2_18-.Ltmp8, $3  }
0x1b6: {  	_ =	sdelay $0x1  }
0x1b7: {  	[tilespmem:v14+s15+$0x0] =	vst.idx.msk $0x1, v0  }
0x1b8: {  	s2 =	sadd.s32 $0x1, s2;
	v14 =	vld [tilespmem:$0x18E90]  }
0x1b9: {  	_ =	sdelay $0x1  }
0x1ba: {  	v15 =	vld [tilespmem:$0x18EA0];
	_ =	sdelay $0x1  }
0x1bb: {  	v16 =	vld [tilespmem:$0x18EB0];
	vm0 =	vlt.f32 v14, $-Inf;
	vm1 =	vgt.f32 v14, $-Inf  }
0x1bc: {  	vm0 =	vmor vm1, vm0  }
0x1bd: {  	v17 =	vld [tilespmem:$0x18EC0];
	v52 =	vnsel vm0, $0xFF800000, v14  }
0x1be: {  	vm11 =	vgt.f32 v15, v52  }
0x1bf: {  	v53 =	vld [tilespmem:$0x18ED0];
	v14 =	vsel vm11, v15, v52  }
0x1c0: {  	vm2 =	vgt.f32 v16, v14  }
0x1c1: {  	v54 =	vld [tilespmem:$0x18EE0];
	v14 =	vsel vm2, v16, v14  }
0x1c2: {  	vm3 =	vgt.f32 v17, v14  }
0x1c3: {  	v55 =	vld [tilespmem:$0x18EF0];
	v14 =	vsel vm3, v17, v14  }
0x1c4: {  	vm4 =	vgt.f32 v53, v14  }
0x1c5: {  	v56 =	vld [tilespmem:$0x18F00];
	v14 =	vsel vm4, v53, v14  }
0x1c6: {  	vm5 =	vgt.f32 v54, v14  }
0x1c7: {  	v14 =	vsel vm5, v54, v14  }
0x1c8: {  	vm6 =	vgt.f32 v55, v14  }
0x1c9: {  	v14 =	vsel vm6, v55, v14  }
0x1ca: {  	vm7 =	vgt.f32 v56, v14  }
0x1cb: {  	v14 =	vsel vm7, v56, v14  }
0x1cc: {  	(xrf0) =	vmax.scan.msk.f32 $0xffff, v14;
	_ =	sdelay $0x1  }
0x1cd: {  	v6 =	vnsel vm0, $0x80000000, v6  }
0x1ce: {  	v6 =	vsel vm11, v7, v6  }
0x1cf: {  	v6 =	vsel vm2, v8, v6  }
0x1d0: {  	v6 =	vsel vm3, v9, v6  }
0x1d1: {  	v6 =	vsel vm4, v10, v6;
	v57, _, _ =	vpop (xrf0)  }
0x1d2: {  	v6 =	vsel vm5, v11, v6;
	v7 =	vbroadcast v57, $0xF  }
0x1d3: {  	v6 =	vsel vm6, v12, v6  }
0x1d4: {  	v6 =	vsel vm7, v13, v6;
	vm12 =	veq.f32 v14, v7  }
0x1d5: {  	v6 =	vnsel vm12, $0xC0000000, v6  }
0x1d6: {  	(xrf0) =	vmin.scan.msk.u32 $0xffff, v6;
	_ =	sdelay $0x5  }
0x1d7: {  	v6, _, _ =	vpop (xrf0)  }
0x1d8: {  	(v2sf) =	vpush v6, $0xF;
	_ =	sdelay $0xe  }
0x1d9: {  	s2 =	spop (v2sf)  }
0x1da: {  	v58 =	vmov s0;
	s21 =	sxor.u32 $0x80000000, s2  }
0x1db: {  	vm13 =	veq.s32 v58, v2;
	v59 =	vmov s21  }
0x1dc: {  	v5 =	vsel vm13, s21, v5  }
0x1dd: {  	v60 =	vshra.s32 v5, $0x1F;
	v61 =	vand.u32 $0xF, v5  }
0x1de: {  	vm14 =	vlt.s32 v5, $0x1;
	v8 =	vshrl.u32 v60, $0x1C;
	vm15 =	vne.s32 v61, $0x0  }
0x1df: {  	v8 =	vadd.s32 v8, v5;
	vm1 =	vmand vm14, vm15  }
0x1e0: {  	v4 =	vsel vm13, v7, v4;
	v62 =	vshra.s32 v8, $0x4;
	v63 =	vsel vm1, $0xFFFFFFFF, v1;
	[tilespmem:v59+s15+$0x0] =	vst.idx.msk $0x1, v0  }
0x1e1: {  	[tilespmem:$0x18FA0] =	vst v4;
	v4 =	vadd.s32 v63, v62  }
0x1e2: {  	s22 =	simm.s32 $0x18F10;
	[tilespmem:$0x18FC0] =	vst v4  }
0x1e3: {  	v4 =	vld.idx.msk [tilespmem:v5+s22+$0x0], $0xffff;
	_ =	sdelay $0x4  }
0x1e4: {  	s23 =	rddreg [dreg:$0x7];
	s24 =	simm.s32 $0x18FA0;
	[tilespmem:$0x18FB0] =	vst v4  }
0x1e5: {  	[hbm4b:s23+s1] =	stream.linear.scatter [tilespmem:s24], [sflag:$0x3], $0x10, $0x38;
	[tilespmem:$0x18FD0] =	vst v63  }
0x1e6: {  	_ =	swait.ge [sflag:s12], $0x10  }
0x1e7: {  	[sflag:s12] =	ssyncset.done $0x0  }
0x1e8: {  	s26 =	simm.s32 $0x18FB0;
	s25 =	rddreg [dreg:$0x8];
	[sflag:s12] =	ssyncadd.s32 $0xFFFFFFF0  }
0x1e9: {  	[hbm4b:s25+s1] =	stream.linear.scatter [tilespmem:s26], [sflag:$0x3], $0x10, $0x38;
	[tilespmem:$0x18FD0] =	vst v63  }
0x1ea: {  	_ =	swait.ge [sflag:s12], $0x10  }
0x1eb: {  	[sflag:s12] =	ssyncset.done $0x0  }
0x1ec: {  	s29 =	simm.s32 $0x18FC0;
	s28 =	rddreg [dreg:$0x9];
	[sflag:s12] =	ssyncadd.s32 $0xFFFFFFF0  }
0x1ed: {  	[hbm4b:s28+s1] =	stream.linear.scatter [tilespmem:s29], [sflag:$0x3], $0x10, $0x38;
	[tilespmem:$0x18FD0] =	vst v63  }
0x1ee: {  	_ =	swait.ge [sflag:s12], $0x10  }
0x1ef: {  	s30 =	rddreg [dreg:$0xb]  }
0x1f0: {  	s31 =	rddreg [dreg:$0xa];
	s2 =	sadd.s32 $0x1, s30  }
0x1f1: {  	p0 =	sne.s32 s2, s31  }
.Ltmp9:
0x1f2: {  	_ = 	snop;
	(pc) =	sbr.rel @p0 .LBB2_1-.Ltmp9, $3  }
0x1f3: {  	_ =	sdelay $0x1  }
0x1f4: {  	[sflag:s12] =	ssyncset.done $0x0  }
0x1f5: {  	[sflag:s12] =	ssyncadd.s32 $0xFFFFFFF0  }
0x1f6: {  	_ =	sfence.sel $0x180000  }
0x1f7: {  	[bflag:$0x0] =	sbarrier.arrive $0xFFFF  }
0x1f8: {  	_ =	strace $0x90000047  }
0x1f9: {  	s0 =	stileid.u32;
	[bflag:$0x2] =	sbarrier.arrive $0xFFFF  }
0x1fa: {  	p0 =	sne.s32 s0, $0x0;
	s0 =	rddreg [dreg:$0x3]  }
0x1fb: {  	s0 =	sadd.s32 @!p0 $0x100000, s0  }
0x1fc: {  	[sflag:s0] =	ssyncadd.tile.s32 @!p0 $0x1;
	_ =	shalt  }
.Lfunc_end2:
_tile_overlayer_lowered:
.L_overlay_start_2:
0x1fd: {  	(tag) =	ssettag $0x2  }
0x1fe: {  	s0 =	rddreg [dreg:$0x0];
	s2 =	stileid.u32  }
0x1ff: {  	s1 =	rddreg [dreg:$0x1];
	p0 =	sne.s32 s2, $0x0  }
0x200: {  	s3 =	rddreg [dreg:$0x2];
	[bflag:$0x3] =	sbarrier.arrive $0xFFFF;
	s2 =	simm.s32 @!p0 $0x1C03  }
0x201: {  	[timem:s3], [sflag:s2] =	dma.local @!p0 [hbm:s0], s1  }
0x202: {  	s0 =	simm.s32 @!p0 $0x3  }
0x203: {  	_ =	swait.ge @!p0 [sflag:s0], s1  }
0x204: {  	s1 =	ssub.s32 @!p0 $0x0, s1;
	[sflag:s0] =	ssyncset.done @!p0 $0x0  }
0x205: {  	[sflag:s0] =	ssyncadd.s32 @!p0 s1  }
0x206: {  	[bflag:$0x3] =	sbarrier.arrive $0xFFFF  }
0x207: {  	_ =	shalt  }

</sc_bundles>
